<compile_context>
chip_gen: v7x
topology: tpu7x:2x2x1
jax: 0.10.2.dev20260603
libtpu: 0.0.44.dev20260713+nightly
codegen_flags: <defaults>
</compile_context>

<pallas_src>
import functools

import numpy as np
import jax
import jax.numpy as jnp
from jax import lax
from jax.experimental import pallas as pl
from jax.experimental.pallas import tpu as pltpu
from jax.experimental.pallas import tpu_sc as plsc

H_IMG = 256
W_IMG = 256
N_PTS = 512
HROWS = H_IMG // 2
GROW = 7
PAD_C = 2
MCOLS = W_IMG + 2 * PAD_C
MROWS = HROWS + 2 * GROW
MWORDS = MROWS * MCOLS
MALLOC = ((MWORDS + 15) // 16) * 16
RL_LO = 3 - GROW
RL_HI = HROWS - 4 + GROW
DUMMY_BASE = 3 * MCOLS + PAD_C

_dyg, _dxg = np.meshgrid(np.arange(-2, 3), np.arange(-2, 3), indexing="ij")
_dyv = _dyg.ravel().astype(np.int64)
_dxv = _dxg.ravel().astype(np.int64)
_wv = np.exp(-np.sqrt(_dxv * _dxv + _dyv * _dyv) / 2.0).astype(np.float32)
_dy2 = np.concatenate([_dyv[16:], np.array([-3, -3, -3, -3, -3, 3, 3])])
_dx2 = np.concatenate([_dxv[16:], np.array([-2, -1, 0, 1, 2, 1, 2])])
_OFF1 = (_dyv[:16] * MCOLS + _dxv[:16]).astype(np.int32)
_OFF2 = (_dy2 * MCOLS + _dx2).astype(np.int32)
_W1 = _wv[:16].copy()
_W2 = np.concatenate([_wv[16:], np.zeros(7, np.float32)]).astype(np.float32)

_GDN = lax.GatherDimensionNumbers(
    offset_dims=(), collapsed_slice_dims=(0,), start_index_map=(0,))

_TBL = np.concatenate([
    np.concatenate([_OFF1, _OFF2]),
    np.concatenate([_W1, _W2]).view(np.int32),
])


def _sc_body(pred_hbm, pts_hbm, tbl_hbm, out_hbm,
             map_v, pbuf_v, ptsv, bv, tblv, res_v, psem):
    w = lax.axis_index("s") * 2 + lax.axis_index("c")
    i = w >> 1
    h = w & 1

    pred_cp = pltpu.async_copy(
        pred_hbm.at[i, 0, pl.ds(h * HROWS, HROWS)], pbuf_v, psem)
    pltpu.sync_copy(pts_hbm.at[i], ptsv)
    pltpu.sync_copy(tbl_hbm, tblv)

    zf = jnp.zeros((16,), jnp.float32)

    def zero_body(r, _):
        base = (r + GROW) * MCOLS
        for k in range(W_IMG // 16):
            map_v[pl.ds(base + PAD_C + k * 16, 16)] = zf
        return 0
    lax.fori_loop(0, HROWS, zero_body, 0, unroll=2)

    rca = 1.0 / plsc.bitcast(ptsv[pl.ds(2 * N_PTS, 16)], jnp.float32)
    lane2 = lax.iota(jnp.int32, 16) * 2
    lo = h * HROWS

    def coord_body(g, n):
        ev = g * 32 + lane2
        px = plsc.load_gather(ptsv, [ev]).astype(jnp.float32)
        py = plsc.load_gather(ptsv, [ev + 1]).astype(jnp.float32)
        cx = jnp.clip(px * rca, 0.0, float(W_IMG - 1)).astype(jnp.int32)
        cy = jnp.clip(py * rca, 0.0, float(H_IMG - 1)).astype(jnp.int32)
        cyl = cy - lo
        keep = (cyl >= -2) & (cyl <= HROWS + 1)
        rl = jnp.clip(cyl, RL_LO, RL_HI)
        base = (rl + GROW) * MCOLS + (cx + PAD_C)
        plsc.store_compressed(bv.at[pl.ds(n, 16)], base, mask=keep)
        cnt = plsc.all_reduce_population_count(keep)
        return n + lax.reduce_max(cnt, axes=(0,))
    nkeep = lax.fori_loop(0, N_PTS // 16, coord_body, 0)
    bv[pl.ds(nkeep, 16)] = jnp.full((16,), DUMMY_BASE, jnp.int32)

    off1 = tblv[pl.ds(0, 16)]
    off2 = tblv[pl.ds(16, 16)]
    w1 = plsc.bitcast(tblv[pl.ds(32, 16)], jnp.float32)
    w2 = plsc.bitcast(tblv[pl.ds(48, 16)], jnp.float32)
    lane_ids = [jnp.full((16, 1), l, jnp.int32) for l in range(16)]

    def scat_body(g, _):
        b16 = bv[pl.ds(g * 16, 16)]
        for l in range(16):
            bb = lax.gather(b16, lane_ids[l], _GDN, (1,),
                            mode=lax.GatherScatterMode.PROMISE_IN_BOUNDS)
            plsc.addupdate_scatter(map_v, [bb + off1], w1)
            plsc.addupdate_scatter(map_v, [bb + off2], w2)
        return 0
    lax.fori_loop(0, (nkeep + 15) >> 4, scat_body, 0)

    pred_cp.wait()

    row0 = GROW * MCOLS + PAD_C

    def red_body(r, acc):
        a_c, a_t, a_2 = acc
        mb = row0 + r * MCOLS
        for k in range(W_IMG // 16):
            p = pbuf_v[r, pl.ds(k * 16, 16)]
            t = map_v[pl.ds(mb + k * 16, 16)]
            a_c = a_c + p * t
            a_t = a_t + t
            a_2 = a_2 + t * t
        return (a_c, a_t, a_2)

    accs = lax.fori_loop(0, HROWS, red_body, (zf, zf, zf), unroll=2)
    for ridx in range(3):
        res_v[pl.ds(ridx * 16, 16)] = accs[ridx]
    pltpu.sync_copy(res_v, out_hbm.at[h, i])


@functools.lru_cache(maxsize=1)
def _sc_call():
    mesh = plsc.VectorSubcoreMesh(core_axis_name="c", subcore_axis_name="s")
    return pl.kernel(
        _sc_body,
        out_type=jax.ShapeDtypeStruct((2, 16, 48), jnp.float32),
        mesh=mesh,
        scratch_types=[
            pltpu.VMEM((MALLOC,), jnp.float32),
            pltpu.VMEM((HROWS, W_IMG), jnp.float32),
            pltpu.VMEM((2 * N_PTS + 16,), jnp.int32),
            pltpu.VMEM((N_PTS + 16,), jnp.int32),
            pltpu.VMEM((64,), jnp.int32),
            pltpu.VMEM((48,), jnp.float32),
            pltpu.SemaphoreType.DMA,
        ],
        compiler_params=pltpu.CompilerParams(needs_layout_passes=False),
    )


def _tc_sq_body(pred_ref, out_ref):
    p = pred_ref[:, 0]
    s = jnp.sum(p, axis=(1, 2))
    q = jnp.sum(p * p, axis=(1, 2))
    idx = lax.broadcasted_iota(jnp.int32, (8, 128), 1)
    out_ref[...] = jnp.where(idx == 0, s[:, None],
                             jnp.where(idx == 1, q[:, None], 0.0))


@functools.lru_cache(maxsize=1)
def _tc_sq_call():
    return pl.pallas_call(
        _tc_sq_body,
        grid=(2,),
        in_specs=[pl.BlockSpec((8, 1, H_IMG, W_IMG),
                               lambda i: (i, 0, 0, 0))],
        out_specs=pl.BlockSpec((8, 128), lambda i: (i, 0)),
        out_shape=jax.ShapeDtypeStruct((16, 128), jnp.float32),
    )


def _tc_fin_body(out2_ref, sq_ref, ca_ref, ls_ref,
                 tot_ref, cnt_ref, spa_ref, scl_ref):
    o = out2_ref[0] + out2_ref[1]
    c = jnp.sum(o[:, 0:16], axis=1, keepdims=True)
    t = jnp.sum(o[:, 16:32], axis=1, keepdims=True)
    t2 = jnp.sum(o[:, 32:48], axis=1, keepdims=True)
    sq = sq_ref[...]
    s = sq[:, 0:1]
    q = sq[:, 1:2]
    a = s + 1e-8
    ts = jnp.where(t > 0, t, 1.0)
    sp = (q / (a * a) - 2.0 * c / (a * ts) + t2 / (ts * ts)) \
        * (1.0 / (H_IMG * W_IMG))
    sp = jnp.where(t > 0, sp, 0.0)
    spatial = jnp.sum(sp, axis=0, keepdims=True) * (1.0 / 16.0)
    ca = ca_ref[...]
    count = jnp.sum(jnp.abs(s / ca - float(N_PTS)),
                    axis=0, keepdims=True) * (1.0 / 16.0)
    scale = jnp.exp(ls_ref[...])
    scale_l = (jnp.maximum(8.0 - scale, 0.0)
               + jnp.maximum(scale - 64.0, 0.0))
    tot_ref[...] = 2.0 * count + 0.15 * spatial + 0.5 * scale_l
    cnt_ref[...] = count
    spa_ref[...] = spatial
    scl_ref[...] = scale_l


@functools.lru_cache(maxsize=1)
def _tc_fin_call():
    scalar = jax.ShapeDtypeStruct((1, 1), jnp.float32)
    return pl.pallas_call(
        _tc_fin_body,
        out_shape=(scalar, scalar, scalar, scalar),
    )


def kernel(pred, points_list, cell_area, log_scale):
    B = pred.shape[0]
    N = points_list.shape[1]
    ca_bits = lax.bitcast_convert_type(
        jnp.full((B, 16), cell_area, jnp.float32), jnp.int32)
    tbl = jnp.asarray(_TBL)
    pts2 = jnp.concatenate(
        [points_list.reshape(B, 2 * N), ca_bits], axis=1)

    out2 = _sc_call()(pred, pts2, tbl)
    sq = _tc_sq_call()(pred)
    caf = jnp.asarray(cell_area, jnp.float32).reshape(1, 1)
    ls2 = jnp.asarray(log_scale, jnp.float32).reshape(1, 1)
    tot, cnt, spa, scl = _tc_fin_call()(out2, sq, caf, ls2)
    return (tot[0, 0], cnt[0, 0], spa[0, 0], scl[0, 0])

# --- scband reference (transcript-rebuilt; emitter-appended) ---
"""Pipeline reference for scband-p2-rloss-v8-47115791237315 (READ-ONLY COPY).

The authoritative reference and input builder live on the scoring server;
editing this copy changes nothing except your own understanding.
"""

import jax, jax.numpy as jnp
import numpy as np

COUNT_W = 2.0
SPATIAL_W = 0.15
SCALE_W = 0.5
MIN_R = 8.0
MAX_R = 64.0

_dy, _dx = np.meshgrid(np.arange(-2, 3), np.arange(-2, 3), indexing='ij')
_dy = _dy.ravel()
_dx = _dx.ravel()
_w = np.exp(-np.sqrt(_dx * _dx + _dy * _dy) / 2.0).astype(np.float32)


def setup_inputs(seed: int = 0):
    key = jax.random.key(seed)
    k1, k2, k3 = jax.random.split(key, 3)
    pred = jax.random.uniform(k1, (16, 1, 256, 256), dtype=jnp.float32)
    points_list = jax.random.randint(k2, (16, 512, 2), 0, 2048, dtype=jnp.int32)
    log_scale = jax.random.normal(k3, (1,), dtype=jnp.float32)
    return {"pred": pred, "points_list": points_list, "cell_area": 8, "log_scale": log_scale}


def reference(pred, points_list, cell_area, log_scale):
    B = pred.shape[0]
    H, W = pred.shape[-2], pred.shape[-1]
    N = points_list.shape[1]
    # count loss: MAE between predicted count and gt count (= N points per sample)
    pred_counts = pred.reshape(B, -1).sum(axis=-1) / cell_area
    count_loss = jnp.mean(jnp.abs(pred_counts - float(N)))
    dy = jnp.asarray(_dy, dtype=jnp.int32)
    dx = jnp.asarray(_dx, dtype=jnp.int32)
    w = jnp.asarray(_w, dtype=jnp.float32)

    def per_sample(pred_i, pts):
        # int() truncation after clamp of nonneg values == floor
        x = jnp.clip(pts[:, 0].astype(jnp.float32) / cell_area, 0, W - 1).astype(jnp.int32)
        y = jnp.clip(pts[:, 1].astype(jnp.float32) / cell_area, 0, H - 1).astype(jnp.int32)
        ny = y[:, None] + dy[None, :]
        nx = x[:, None] + dx[None, :]
        valid = (ny >= 0) & (ny < H) & (nx >= 0) & (nx < W)
        wts = jnp.where(valid, w[None, :], 0.0)
        ny_c = jnp.clip(ny, 0, H - 1)
        nx_c = jnp.clip(nx, 0, W - 1)
        target = jnp.zeros((H, W), dtype=jnp.float32).at[ny_c.ravel(), nx_c.ravel()].add(wts.ravel())
        tsum = target.sum()
        target_n = target / jnp.where(tsum > 0, tsum, 1.0)
        p = pred_i[0]
        p_norm = p / (p.sum() + 1e-08)
        sp = jnp.mean((p_norm - target_n) ** 2)
        return jnp.where(tsum > 0, sp, 0.0)

    spatial_loss = jnp.mean(jax.vmap(per_sample)(pred, points_list))
    scale = jnp.exp(log_scale)
    scale_loss = jnp.mean(jax.nn.relu(MIN_R - scale) + jax.nn.relu(scale - MAX_R))
    total = COUNT_W * count_loss + SPATIAL_W * spatial_loss + SCALE_W * scale_loss
    return total, count_loss, spatial_loss, scale_loss

if __name__ == "__main__":
    import jax
    _d = setup_inputs()
    print(jax.jit(kernel)(*tuple(_d.values())))

</pallas_src>

<mosaic_0001>
#map = affine_map<(d0, d1) -> (0, 0, 0, 0)>
#map1 = affine_map<(d0, d1) -> (0, 0)>
#map2 = affine_map<(d0, d1) -> (0)>
#map3 = affine_map<(d0, d1) -> (0, 0, 0)>
module attributes {stable_mosaic.version = 14 : i64} {
  func.func @_sc_body(%arg0: i32, %arg1: i32, %arg2: memref<16x1x256x256xf32, #tpu.memory_space<hbm>>, %arg3: memref<16x1040xi32, #tpu.memory_space<hbm>>, %arg4: memref<64xi32, #tpu.memory_space<hbm>>, %arg5: memref<2x16x48xf32, #tpu.memory_space<hbm>>, %arg6: memref<36928xf32, #tpu.memory_space<vmem>>, %arg7: memref<128x256xf32, #tpu.memory_space<vmem>>, %arg8: memref<1040xi32, #tpu.memory_space<vmem>>, %arg9: memref<528xi32, #tpu.memory_space<vmem>>, %arg10: memref<64xi32, #tpu.memory_space<vmem>>, %arg11: memref<48xf32, #tpu.memory_space<vmem>>, %arg12: memref<!tpu.dma_semaphore, #tpu.memory_space<semaphore_mem>>) attributes {dimension_semantics = [#tpu.dimension_semantics<core_parallel>, #tpu.dimension_semantics<subcore_parallel>], iteration_bounds = array<i64: 2, 16>, scalar_prefetch = 0 : i64, scratch_operands = 7 : i64, tpu.core_type = #tpu.core_type<sc_vector_subcore>, window_params = [{transform_indices = #map}, {transform_indices = #map1}, {transform_indices = #map2}, {transform_indices = #map3}]} {
    %mul3A = arith.constant 2 : i32
    %mul3A_0 = arith.muli %arg1, %mul3A : i32
    %add3A = arith.addi %mul3A_0, %arg0 : i32
    %shift_right_arithmetic3A = arith.constant 1 : i32
    %shift_right_arithmetic3A_1 = arith.shrsi %add3A, %shift_right_arithmetic3A : i32
    %and3A = arith.constant 1 : i32
    %and3A_2 = arith.andi %add3A, %and3A : i32
    %mul3A_3 = arith.constant 128 : i32
    %mul3A_4 = arith.muli %and3A_2, %mul3A_3 : i32
    %dma_start3A = arith.constant 0 : i32
    %dma_start3A_5 = arith.constant 0 : i32
    %dma_start3A_6 = tpu.memref_slice %arg2[%shift_right_arithmetic3A_1, %dma_start3A, %mul3A_4, %dma_start3A_5] : memref<16x1x256x256xf32, #tpu.memory_space<hbm>> -> memref<1x1x128x256xf32, #tpu.memory_space<hbm>>
    %dma_start3A_7 = tpu.memref_squeeze %dma_start3A_6 : memref<1x1x128x256xf32, #tpu.memory_space<hbm>> -> memref<128x256xf32, #tpu.memory_space<hbm>>
    %dma_start3A_8 = arith.constant 0 : i32
    %dma_start3A_9 = tpu.memref_slice %arg2[%shift_right_arithmetic3A_1, %dma_start3A, %mul3A_4, %dma_start3A_8] : memref<16x1x256x256xf32, #tpu.memory_space<hbm>> -> memref<1x1x128x256xf32, #tpu.memory_space<hbm>>
    %dma_start3A_10 = tpu.memref_squeeze %dma_start3A_9 : memref<1x1x128x256xf32, #tpu.memory_space<hbm>> -> memref<128x256xf32, #tpu.memory_space<hbm>>
    tpu.enqueue_dma source(%dma_start3A_10 : memref<128x256xf32, #tpu.memory_space<hbm>>) target(%arg7 : memref<128x256xf32, #tpu.memory_space<vmem>>) target_semaphore(%arg12 : memref<!tpu.dma_semaphore, #tpu.memory_space<semaphore_mem>>)
    "tpu.region"() ({
      %run_scoped3A = tpu.sem_alloc : memref<!tpu.dma_semaphore, #tpu.memory_space<semaphore_mem>>
      %dma_start3A_111 = arith.constant 0 : i32
      %dma_start3A_112 = tpu.memref_slice %arg3[%shift_right_arithmetic3A_1, %dma_start3A_111] : memref<16x1040xi32, #tpu.memory_space<hbm>> -> memref<1x1040xi32, #tpu.memory_space<hbm>>
      %dma_start3A_113 = tpu.memref_squeeze %dma_start3A_112 : memref<1x1040xi32, #tpu.memory_space<hbm>> -> memref<1040xi32, #tpu.memory_space<hbm>>
      %dma_start3A_114 = arith.constant 0 : i32
      %dma_start3A_115 = tpu.memref_slice %arg3[%shift_right_arithmetic3A_1, %dma_start3A_114] : memref<16x1040xi32, #tpu.memory_space<hbm>> -> memref<1x1040xi32, #tpu.memory_space<hbm>>
      %dma_start3A_116 = tpu.memref_squeeze %dma_start3A_115 : memref<1x1040xi32, #tpu.memory_space<hbm>> -> memref<1040xi32, #tpu.memory_space<hbm>>
      tpu.enqueue_dma source(%dma_start3A_116 : memref<1040xi32, #tpu.memory_space<hbm>>) target(%arg8 : memref<1040xi32, #tpu.memory_space<vmem>>) target_semaphore(%run_scoped3A : memref<!tpu.dma_semaphore, #tpu.memory_space<semaphore_mem>>)
      %dma_wait3A_117 = arith.constant 0 : i32
      %dma_wait3A_118 = tpu.memref_slice %arg3[%shift_right_arithmetic3A_1, %dma_wait3A_117] : memref<16x1040xi32, #tpu.memory_space<hbm>> -> memref<1x1040xi32, #tpu.memory_space<hbm>>
      %dma_wait3A_119 = tpu.memref_squeeze %dma_wait3A_118 : memref<1x1040xi32, #tpu.memory_space<hbm>> -> memref<1040xi32, #tpu.memory_space<hbm>>
      %dma_wait3A_120 = arith.constant 0 : i32
      %dma_wait3A_121 = tpu.memref_slice %arg3[%shift_right_arithmetic3A_1, %dma_wait3A_120] : memref<16x1040xi32, #tpu.memory_space<hbm>> -> memref<1x1040xi32, #tpu.memory_space<hbm>>
      %dma_wait3A_122 = tpu.memref_squeeze %dma_wait3A_121 : memref<1x1040xi32, #tpu.memory_space<hbm>> -> memref<1040xi32, #tpu.memory_space<hbm>>
      tpu.wait_dma2 semaphore(%run_scoped3A : memref<!tpu.dma_semaphore, #tpu.memory_space<semaphore_mem>>) src(%dma_wait3A_122 : memref<1040xi32, #tpu.memory_space<hbm>>) dst(%arg8 : memref<1040xi32, #tpu.memory_space<vmem>>)
      tpu.yield
    }) : () -> ()
    "tpu.region"() ({
      %run_scoped3A = tpu.sem_alloc : memref<!tpu.dma_semaphore, #tpu.memory_space<semaphore_mem>>
      tpu.enqueue_dma source(%arg4 : memref<64xi32, #tpu.memory_space<hbm>>) target(%arg10 : memref<64xi32, #tpu.memory_space<vmem>>) target_semaphore(%run_scoped3A : memref<!tpu.dma_semaphore, #tpu.memory_space<semaphore_mem>>)
      tpu.wait_dma2 semaphore(%run_scoped3A : memref<!tpu.dma_semaphore, #tpu.memory_space<semaphore_mem>>) src(%arg4 : memref<64xi32, #tpu.memory_space<hbm>>) dst(%arg10 : memref<64xi32, #tpu.memory_space<vmem>>)
      tpu.yield
    }) : () -> ()
    %broadcast_in_dim3A = arith.constant 0.000000e+00 : f32
    %broadcast_in_dim3A_11 = vector.broadcast %broadcast_in_dim3A : f32 to vector<16xf32>
    %scan3A = arith.constant 0 : i32
    %scan3A_12 = arith.constant 0 : i32
    %scan3A_13 = arith.constant 128 : i32
    %scan3A_14 = arith.addi %scan3A_12, %scan3A_13 : i32
    %scan3A_15 = arith.constant 2 : i32
    %scan3A_16 = scf.for %scan3A_111 = %scan3A_12 to %scan3A_14 step %scan3A_15 iter_args(%scan3A_112 = %scan3A) -> (i32)  : i32 {
      %add3A_113 = arith.constant 7 : i32
      %add3A_114 = arith.addi %scan3A_111, %add3A_113 : i32
      %mul3A_115 = arith.constant 260 : i32
      %mul3A_116 = arith.muli %add3A_114, %mul3A_115 : i32
      %add3A_117 = arith.constant 2 : i32
      %add3A_118 = arith.addi %mul3A_116, %add3A_117 : i32
      %add3A_119 = arith.constant 0 : i32
      %add3A_120 = arith.addi %add3A_118, %add3A_119 : i32
      %swap3A_121 = arith.index_cast %add3A_120 : i32 to index
      %swap3A_122 = tpu.vector_load %arg6[%swap3A_121] {strides = array<i32>} : memref<36928xf32, #tpu.memory_space<vmem>>, vector<16xf32>,
      tpu.vector_store %arg6[%swap3A_121], %broadcast_in_dim3A_11 {strides = array<i32>} : memref<36928xf32, #tpu.memory_space<vmem>>, vector<16xf32>,
      %add3A_123 = arith.constant 2 : i32
      %add3A_124 = arith.addi %mul3A_116, %add3A_123 : i32
      %add3A_125 = arith.constant 16 : i32
      %add3A_126 = arith.addi %add3A_124, %add3A_125 : i32
      %swap3A_127 = arith.index_cast %add3A_126 : i32 to index
      %swap3A_128 = tpu.vector_load %arg6[%swap3A_127] {strides = array<i32>} : memref<36928xf32, #tpu.memory_space<vmem>>, vector<16xf32>,
      tpu.vector_store %arg6[%swap3A_127], %broadcast_in_dim3A_11 {strides = array<i32>} : memref<36928xf32, #tpu.memory_space<vmem>>, vector<16xf32>,
      %add3A_129 = arith.constant 2 : i32
      %add3A_130 = arith.addi %mul3A_116, %add3A_129 : i32
      %add3A_131 = arith.constant 32 : i32
      %add3A_132 = arith.addi %add3A_130, %add3A_131 : i32
      %swap3A_133 = arith.index_cast %add3A_132 : i32 to index
      %swap3A_134 = tpu.vector_load %arg6[%swap3A_133] {strides = array<i32>} : memref<36928xf32, #tpu.memory_space<vmem>>, vector<16xf32>,
      tpu.vector_store %arg6[%swap3A_133], %broadcast_in_dim3A_11 {strides = array<i32>} : memref<36928xf32, #tpu.memory_space<vmem>>, vector<16xf32>,
      %add3A_135 = arith.constant 2 : i32
      %add3A_136 = arith.addi %mul3A_116, %add3A_135 : i32
      %add3A_137 = arith.constant 48 : i32
      %add3A_138 = arith.addi %add3A_136, %add3A_137 : i32
      %swap3A_139 = arith.index_cast %add3A_138 : i32 to index
      %swap3A_140 = tpu.vector_load %arg6[%swap3A_139] {strides = array<i32>} : memref<36928xf32, #tpu.memory_space<vmem>>, vector<16xf32>,
      tpu.vector_store %arg6[%swap3A_139], %broadcast_in_dim3A_11 {strides = array<i32>} : memref<36928xf32, #tpu.memory_space<vmem>>, vector<16xf32>,
      %add3A_141 = arith.constant 2 : i32
      %add3A_142 = arith.addi %mul3A_116, %add3A_141 : i32
      %add3A_143 = arith.constant 64 : i32
      %add3A_144 = arith.addi %add3A_142, %add3A_143 : i32
      %swap3A_145 = arith.index_cast %add3A_144 : i32 to index
      %swap3A_146 = tpu.vector_load %arg6[%swap3A_145] {strides = array<i32>} : memref<36928xf32, #tpu.memory_space<vmem>>, vector<16xf32>,
      tpu.vector_store %arg6[%swap3A_145], %broadcast_in_dim3A_11 {strides = array<i32>} : memref<36928xf32, #tpu.memory_space<vmem>>, vector<16xf32>,
      %add3A_147 = arith.constant 2 : i32
      %add3A_148 = arith.addi %mul3A_116, %add3A_147 : i32
      %add3A_149 = arith.constant 80 : i32
      %add3A_150 = arith.addi %add3A_148, %add3A_149 : i32
      %swap3A_151 = arith.index_cast %add3A_150 : i32 to index
      %swap3A_152 = tpu.vector_load %arg6[%swap3A_151] {strides = array<i32>} : memref<36928xf32, #tpu.memory_space<vmem>>, vector<16xf32>,
      tpu.vector_store %arg6[%swap3A_151], %broadcast_in_dim3A_11 {strides = array<i32>} : memref<36928xf32, #tpu.memory_space<vmem>>, vector<16xf32>,
      %add3A_153 = arith.constant 2 : i32
      %add3A_154 = arith.addi %mul3A_116, %add3A_153 : i32
      %add3A_155 = arith.constant 96 : i32
      %add3A_156 = arith.addi %add3A_154, %add3A_155 : i32
      %swap3A_157 = arith.index_cast %add3A_156 : i32 to index
      %swap3A_158 = tpu.vector_load %arg6[%swap3A_157] {strides = array<i32>} : memref<36928xf32, #tpu.memory_space<vmem>>, vector<16xf32>,
      tpu.vector_store %arg6[%swap3A_157], %broadcast_in_dim3A_11 {strides = array<i32>} : memref<36928xf32, #tpu.memory_space<vmem>>, vector<16xf32>,
      %add3A_159 = arith.constant 2 : i32
      %add3A_160 = arith.addi %mul3A_116, %add3A_159 : i32
      %add3A_161 = arith.constant 112 : i32
      %add3A_162 = arith.addi %add3A_160, %add3A_161 : i32
      %swap3A_163 = arith.index_cast %add3A_162 : i32 to index
      %swap3A_164 = tpu.vector_load %arg6[%swap3A_163] {strides = array<i32>} : memref<36928xf32, #tpu.memory_space<vmem>>, vector<16xf32>,
      tpu.vector_store %arg6[%swap3A_163], %broadcast_in_dim3A_11 {strides = array<i32>} : memref<36928xf32, #tpu.memory_space<vmem>>, vector<16xf32>,
      %add3A_165 = arith.constant 2 : i32
      %add3A_166 = arith.addi %mul3A_116, %add3A_165 : i32
      %add3A_167 = arith.constant 128 : i32
      %add3A_168 = arith.addi %add3A_166, %add3A_167 : i32
      %swap3A_169 = arith.index_cast %add3A_168 : i32 to index
      %swap3A_170 = tpu.vector_load %arg6[%swap3A_169] {strides = array<i32>} : memref<36928xf32, #tpu.memory_space<vmem>>, vector<16xf32>,
      tpu.vector_store %arg6[%swap3A_169], %broadcast_in_dim3A_11 {strides = array<i32>} : memref<36928xf32, #tpu.memory_space<vmem>>, vector<16xf32>,
      %add3A_171 = arith.constant 2 : i32
      %add3A_172 = arith.addi %mul3A_116, %add3A_171 : i32
      %add3A_173 = arith.constant 144 : i32
      %add3A_174 = arith.addi %add3A_172, %add3A_173 : i32
      %swap3A_175 = arith.index_cast %add3A_174 : i32 to index
      %swap3A_176 = tpu.vector_load %arg6[%swap3A_175] {strides = array<i32>} : memref<36928xf32, #tpu.memory_space<vmem>>, vector<16xf32>,
      tpu.vector_store %arg6[%swap3A_175], %broadcast_in_dim3A_11 {strides = array<i32>} : memref<36928xf32, #tpu.memory_space<vmem>>, vector<16xf32>,
      %add3A_177 = arith.constant 2 : i32
      %add3A_178 = arith.addi %mul3A_116, %add3A_177 : i32
      %add3A_179 = arith.constant 160 : i32
      %add3A_180 = arith.addi %add3A_178, %add3A_179 : i32
      %swap3A_181 = arith.index_cast %add3A_180 : i32 to index
      %swap3A_182 = tpu.vector_load %arg6[%swap3A_181] {strides = array<i32>} : memref<36928xf32, #tpu.memory_space<vmem>>, vector<16xf32>,
      tpu.vector_store %arg6[%swap3A_181], %broadcast_in_dim3A_11 {strides = array<i32>} : memref<36928xf32, #tpu.memory_space<vmem>>, vector<16xf32>,
      %add3A_183 = arith.constant 2 : i32
      %add3A_184 = arith.addi %mul3A_116, %add3A_183 : i32
      %add3A_185 = arith.constant 176 : i32
      %add3A_186 = arith.addi %add3A_184, %add3A_185 : i32
      %swap3A_187 = arith.index_cast %add3A_186 : i32 to index
      %swap3A_188 = tpu.vector_load %arg6[%swap3A_187] {strides = array<i32>} : memref<36928xf32, #tpu.memory_space<vmem>>, vector<16xf32>,
      tpu.vector_store %arg6[%swap3A_187], %broadcast_in_dim3A_11 {strides = array<i32>} : memref<36928xf32, #tpu.memory_space<vmem>>, vector<16xf32>,
      %add3A_189 = arith.constant 2 : i32
      %add3A_190 = arith.addi %mul3A_116, %add3A_189 : i32
      %add3A_191 = arith.constant 192 : i32
      %add3A_192 = arith.addi %add3A_190, %add3A_191 : i32
      %swap3A_193 = arith.index_cast %add3A_192 : i32 to index
      %swap3A_194 = tpu.vector_load %arg6[%swap3A_193] {strides = array<i32>} : memref<36928xf32, #tpu.memory_space<vmem>>, vector<16xf32>,
      tpu.vector_store %arg6[%swap3A_193], %broadcast_in_dim3A_11 {strides = array<i32>} : memref<36928xf32, #tpu.memory_space<vmem>>, vector<16xf32>,
      %add3A_195 = arith.constant 2 : i32
      %add3A_196 = arith.addi %mul3A_116, %add3A_195 : i32
      %add3A_197 = arith.constant 208 : i32
      %add3A_198 = arith.addi %add3A_196, %add3A_197 : i32
      %swap3A_199 = arith.index_cast %add3A_198 : i32 to index
      %swap3A_200 = tpu.vector_load %arg6[%swap3A_199] {strides = array<i32>} : memref<36928xf32, #tpu.memory_space<vmem>>, vector<16xf32>,
      tpu.vector_store %arg6[%swap3A_199], %broadcast_in_dim3A_11 {strides = array<i32>} : memref<36928xf32, #tpu.memory_space<vmem>>, vector<16xf32>,
      %add3A_201 = arith.constant 2 : i32
      %add3A_202 = arith.addi %mul3A_116, %add3A_201 : i32
      %add3A_203 = arith.constant 224 : i32
      %add3A_204 = arith.addi %add3A_202, %add3A_203 : i32
      %swap3A_205 = arith.index_cast %add3A_204 : i32 to index
      %swap3A_206 = tpu.vector_load %arg6[%swap3A_205] {strides = array<i32>} : memref<36928xf32, #tpu.memory_space<vmem>>, vector<16xf32>,
      tpu.vector_store %arg6[%swap3A_205], %broadcast_in_dim3A_11 {strides = array<i32>} : memref<36928xf32, #tpu.memory_space<vmem>>, vector<16xf32>,
      %add3A_207 = arith.constant 2 : i32
      %add3A_208 = arith.addi %mul3A_116, %add3A_207 : i32
      %add3A_209 = arith.constant 240 : i32
      %add3A_210 = arith.addi %add3A_208, %add3A_209 : i32
      %swap3A_211 = arith.index_cast %add3A_210 : i32 to index
      %swap3A_212 = tpu.vector_load %arg6[%swap3A_211] {strides = array<i32>} : memref<36928xf32, #tpu.memory_space<vmem>>, vector<16xf32>,
      tpu.vector_store %arg6[%swap3A_211], %broadcast_in_dim3A_11 {strides = array<i32>} : memref<36928xf32, #tpu.memory_space<vmem>>, vector<16xf32>,
      %scan3A_213 = arith.constant 0 : i32
      %scan3A_214 = arith.constant 1 : i32
      %scan3A_215 = arith.addi %scan3A_111, %scan3A_214 : i32
      %add3A_216 = arith.constant 7 : i32
      %add3A_217 = arith.addi %scan3A_215, %add3A_216 : i32
      %mul3A_218 = arith.constant 260 : i32
      %mul3A_219 = arith.muli %add3A_217, %mul3A_218 : i32
      %add3A_220 = arith.constant 2 : i32
      %add3A_221 = arith.addi %mul3A_219, %add3A_220 : i32
      %add3A_222 = arith.constant 0 : i32
      %add3A_223 = arith.addi %add3A_221, %add3A_222 : i32
      %swap3A_224 = arith.index_cast %add3A_223 : i32 to index
      %swap3A_225 = tpu.vector_load %arg6[%swap3A_224] {strides = array<i32>} : memref<36928xf32, #tpu.memory_space<vmem>>, vector<16xf32>,
      tpu.vector_store %arg6[%swap3A_224], %broadcast_in_dim3A_11 {strides = array<i32>} : memref<36928xf32, #tpu.memory_space<vmem>>, vector<16xf32>,
      %add3A_226 = arith.constant 2 : i32
      %add3A_227 = arith.addi %mul3A_219, %add3A_226 : i32
      %add3A_228 = arith.constant 16 : i32
      %add3A_229 = arith.addi %add3A_227, %add3A_228 : i32
      %swap3A_230 = arith.index_cast %add3A_229 : i32 to index
      %swap3A_231 = tpu.vector_load %arg6[%swap3A_230] {strides = array<i32>} : memref<36928xf32, #tpu.memory_space<vmem>>, vector<16xf32>,
      tpu.vector_store %arg6[%swap3A_230], %broadcast_in_dim3A_11 {strides = array<i32>} : memref<36928xf32, #tpu.memory_space<vmem>>, vector<16xf32>,
      %add3A_232 = arith.constant 2 : i32
      %add3A_233 = arith.addi %mul3A_219, %add3A_232 : i32
      %add3A_234 = arith.constant 32 : i32
      %add3A_235 = arith.addi %add3A_233, %add3A_234 : i32
      %swap3A_236 = arith.index_cast %add3A_235 : i32 to index
      %swap3A_237 = tpu.vector_load %arg6[%swap3A_236] {strides = array<i32>} : memref<36928xf32, #tpu.memory_space<vmem>>, vector<16xf32>,
      tpu.vector_store %arg6[%swap3A_236], %broadcast_in_dim3A_11 {strides = array<i32>} : memref<36928xf32, #tpu.memory_space<vmem>>, vector<16xf32>,
      %add3A_238 = arith.constant 2 : i32
      %add3A_239 = arith.addi %mul3A_219, %add3A_238 : i32
      %add3A_240 = arith.constant 48 : i32
      %add3A_241 = arith.addi %add3A_239, %add3A_240 : i32
      %swap3A_242 = arith.index_cast %add3A_241 : i32 to index
      %swap3A_243 = tpu.vector_load %arg6[%swap3A_242] {strides = array<i32>} : memref<36928xf32, #tpu.memory_space<vmem>>, vector<16xf32>,
      tpu.vector_store %arg6[%swap3A_242], %broadcast_in_dim3A_11 {strides = array<i32>} : memref<36928xf32, #tpu.memory_space<vmem>>, vector<16xf32>,
      %add3A_244 = arith.constant 2 : i32
      %add3A_245 = arith.addi %mul3A_219, %add3A_244 : i32
      %add3A_246 = arith.constant 64 : i32
      %add3A_247 = arith.addi %add3A_245, %add3A_246 : i32
      %swap3A_248 = arith.index_cast %add3A_247 : i32 to index
      %swap3A_249 = tpu.vector_load %arg6[%swap3A_248] {strides = array<i32>} : memref<36928xf32, #tpu.memory_space<vmem>>, vector<16xf32>,
      tpu.vector_store %arg6[%swap3A_248], %broadcast_in_dim3A_11 {strides = array<i32>} : memref<36928xf32, #tpu.memory_space<vmem>>, vector<16xf32>,
      %add3A_250 = arith.constant 2 : i32
      %add3A_251 = arith.addi %mul3A_219, %add3A_250 : i32
      %add3A_252 = arith.constant 80 : i32
      %add3A_253 = arith.addi %add3A_251, %add3A_252 : i32
      %swap3A_254 = arith.index_cast %add3A_253 : i32 to index
      %swap3A_255 = tpu.vector_load %arg6[%swap3A_254] {strides = array<i32>} : memref<36928xf32, #tpu.memory_space<vmem>>, vector<16xf32>,
      tpu.vector_store %arg6[%swap3A_254], %broadcast_in_dim3A_11 {strides = array<i32>} : memref<36928xf32, #tpu.memory_space<vmem>>, vector<16xf32>,
      %add3A_256 = arith.constant 2 : i32
      %add3A_257 = arith.addi %mul3A_219, %add3A_256 : i32
      %add3A_258 = arith.constant 96 : i32
      %add3A_259 = arith.addi %add3A_257, %add3A_258 : i32
      %swap3A_260 = arith.index_cast %add3A_259 : i32 to index
      %swap3A_261 = tpu.vector_load %arg6[%swap3A_260] {strides = array<i32>} : memref<36928xf32, #tpu.memory_space<vmem>>, vector<16xf32>,
      tpu.vector_store %arg6[%swap3A_260], %broadcast_in_dim3A_11 {strides = array<i32>} : memref<36928xf32, #tpu.memory_space<vmem>>, vector<16xf32>,
      %add3A_262 = arith.constant 2 : i32
      %add3A_263 = arith.addi %mul3A_219, %add3A_262 : i32
      %add3A_264 = arith.constant 112 : i32
      %add3A_265 = arith.addi %add3A_263, %add3A_264 : i32
      %swap3A_266 = arith.index_cast %add3A_265 : i32 to index
      %swap3A_267 = tpu.vector_load %arg6[%swap3A_266] {strides = array<i32>} : memref<36928xf32, #tpu.memory_space<vmem>>, vector<16xf32>,
      tpu.vector_store %arg6[%swap3A_266], %broadcast_in_dim3A_11 {strides = array<i32>} : memref<36928xf32, #tpu.memory_space<vmem>>, vector<16xf32>,
      %add3A_268 = arith.constant 2 : i32
      %add3A_269 = arith.addi %mul3A_219, %add3A_268 : i32
      %add3A_270 = arith.constant 128 : i32
      %add3A_271 = arith.addi %add3A_269, %add3A_270 : i32
      %swap3A_272 = arith.index_cast %add3A_271 : i32 to index
      %swap3A_273 = tpu.vector_load %arg6[%swap3A_272] {strides = array<i32>} : memref<36928xf32, #tpu.memory_space<vmem>>, vector<16xf32>,
      tpu.vector_store %arg6[%swap3A_272], %broadcast_in_dim3A_11 {strides = array<i32>} : memref<36928xf32, #tpu.memory_space<vmem>>, vector<16xf32>,
      %add3A_274 = arith.constant 2 : i32
      %add3A_275 = arith.addi %mul3A_219, %add3A_274 : i32
      %add3A_276 = arith.constant 144 : i32
      %add3A_277 = arith.addi %add3A_275, %add3A_276 : i32
      %swap3A_278 = arith.index_cast %add3A_277 : i32 to index
      %swap3A_279 = tpu.vector_load %arg6[%swap3A_278] {strides = array<i32>} : memref<36928xf32, #tpu.memory_space<vmem>>, vector<16xf32>,
      tpu.vector_store %arg6[%swap3A_278], %broadcast_in_dim3A_11 {strides = array<i32>} : memref<36928xf32, #tpu.memory_space<vmem>>, vector<16xf32>,
      %add3A_280 = arith.constant 2 : i32
      %add3A_281 = arith.addi %mul3A_219, %add3A_280 : i32
      %add3A_282 = arith.constant 160 : i32
      %add3A_283 = arith.addi %add3A_281, %add3A_282 : i32
      %swap3A_284 = arith.index_cast %add3A_283 : i32 to index
      %swap3A_285 = tpu.vector_load %arg6[%swap3A_284] {strides = array<i32>} : memref<36928xf32, #tpu.memory_space<vmem>>, vector<16xf32>,
      tpu.vector_store %arg6[%swap3A_284], %broadcast_in_dim3A_11 {strides = array<i32>} : memref<36928xf32, #tpu.memory_space<vmem>>, vector<16xf32>,
      %add3A_286 = arith.constant 2 : i32
      %add3A_287 = arith.addi %mul3A_219, %add3A_286 : i32
      %add3A_288 = arith.constant 176 : i32
      %add3A_289 = arith.addi %add3A_287, %add3A_288 : i32
      %swap3A_290 = arith.index_cast %add3A_289 : i32 to index
      %swap3A_291 = tpu.vector_load %arg6[%swap3A_290] {strides = array<i32>} : memref<36928xf32, #tpu.memory_space<vmem>>, vector<16xf32>,
      tpu.vector_store %arg6[%swap3A_290], %broadcast_in_dim3A_11 {strides = array<i32>} : memref<36928xf32, #tpu.memory_space<vmem>>, vector<16xf32>,
      %add3A_292 = arith.constant 2 : i32
      %add3A_293 = arith.addi %mul3A_219, %add3A_292 : i32
      %add3A_294 = arith.constant 192 : i32
      %add3A_295 = arith.addi %add3A_293, %add3A_294 : i32
      %swap3A_296 = arith.index_cast %add3A_295 : i32 to index
      %swap3A_297 = tpu.vector_load %arg6[%swap3A_296] {strides = array<i32>} : memref<36928xf32, #tpu.memory_space<vmem>>, vector<16xf32>,
      tpu.vector_store %arg6[%swap3A_296], %broadcast_in_dim3A_11 {strides = array<i32>} : memref<36928xf32, #tpu.memory_space<vmem>>, vector<16xf32>,
      %add3A_298 = arith.constant 2 : i32
      %add3A_299 = arith.addi %mul3A_219, %add3A_298 : i32
      %add3A_300 = arith.constant 208 : i32
      %add3A_301 = arith.addi %add3A_299, %add3A_300 : i32
      %swap3A_302 = arith.index_cast %add3A_301 : i32 to index
      %swap3A_303 = tpu.vector_load %arg6[%swap3A_302] {strides = array<i32>} : memref<36928xf32, #tpu.memory_space<vmem>>, vector<16xf32>,
      tpu.vector_store %arg6[%swap3A_302], %broadcast_in_dim3A_11 {strides = array<i32>} : memref<36928xf32, #tpu.memory_space<vmem>>, vector<16xf32>,
      %add3A_304 = arith.constant 2 : i32
      %add3A_305 = arith.addi %mul3A_219, %add3A_304 : i32
      %add3A_306 = arith.constant 224 : i32
      %add3A_307 = arith.addi %add3A_305, %add3A_306 : i32
      %swap3A_308 = arith.index_cast %add3A_307 : i32 to index
      %swap3A_309 = tpu.vector_load %arg6[%swap3A_308] {strides = array<i32>} : memref<36928xf32, #tpu.memory_space<vmem>>, vector<16xf32>,
      tpu.vector_store %arg6[%swap3A_308], %broadcast_in_dim3A_11 {strides = array<i32>} : memref<36928xf32, #tpu.memory_space<vmem>>, vector<16xf32>,
      %add3A_310 = arith.constant 2 : i32
      %add3A_311 = arith.addi %mul3A_219, %add3A_310 : i32
      %add3A_312 = arith.constant 240 : i32
      %add3A_313 = arith.addi %add3A_311, %add3A_312 : i32
      %swap3A_314 = arith.index_cast %add3A_313 : i32 to index
      %swap3A_315 = tpu.vector_load %arg6[%swap3A_314] {strides = array<i32>} : memref<36928xf32, #tpu.memory_space<vmem>>, vector<16xf32>,
      tpu.vector_store %arg6[%swap3A_314], %broadcast_in_dim3A_11 {strides = array<i32>} : memref<36928xf32, #tpu.memory_space<vmem>>, vector<16xf32>,
      %scan3A_316 = arith.constant 0 : i32
      scf.yield %scan3A_316 : i32
    }
    %scan3A_17 = arith.constant 128 : i32
    %get3A = arith.constant 1024 : index
    %get3A_18 = tpu.vector_load %arg8[%get3A] {strides = array<i32>} : memref<1040xi32, #tpu.memory_space<vmem>>, vector<16xi32>,
    %bitcast3A = vector.bitcast %get3A_18 : vector<16xi32> to vector<16xf32>
    %div3A = arith.constant 1.000000e+00 : f32
    %div3A_19 = vector.broadcast %div3A : f32 to vector<16xf32>
    %div3A_20 = arith.divf %div3A_19, %bitcast3A : vector<16xf32>
    %iota3A = tpu.iota {dimensions = array<i32: 0>} : vector<16xi32>
    %mul3A_21 = arith.constant 2 : i32
    %mul3A_22 = vector.broadcast %mul3A_21 : i32 to vector<16xi32>
    %mul3A_23 = arith.muli %iota3A, %mul3A_22 : vector<16xi32>
    %mul3A_24 = arith.constant 128 : i32
    %mul3A_25 = arith.muli %and3A_2, %mul3A_24 : i32
    %scan3A_26 = arith.constant 0 : i32
    %scan3A_27 = arith.constant 0 : i32
    %scan3A_28 = arith.constant 32 : i32
    %scan3A_29 = arith.addi %scan3A_27, %scan3A_28 : i32
    %scan3A_30 = arith.constant 1 : i32
    %scan3A_31 = scf.for %scan3A_111 = %scan3A_27 to %scan3A_29 step %scan3A_30 iter_args(%scan3A_112 = %scan3A_26) -> (i32)  : i32 {
      %mul3A_113 = arith.constant 32 : i32
      %mul3A_114 = arith.muli %scan3A_111, %mul3A_113 : i32
      %add3A_115 = vector.broadcast %mul3A_114 : i32 to vector<16xi32>
      %add3A_116 = arith.addi %add3A_115, %mul3A_23 : vector<16xi32>
      %gather3A = tpu.vector_load_idx %arg8[%add3A_116] : memref<1040xi32, #tpu.memory_space<vmem>>[vector<16xi32>], vector<16xi32>,
      %convert_element_type3A = arith.sitofp %gather3A : vector<16xi32> to vector<16xf32>
      %add3A_117 = arith.constant 1 : i32
      %add3A_118 = vector.broadcast %add3A_117 : i32 to vector<16xi32>
      %add3A_119 = arith.addi %add3A_116, %add3A_118 : vector<16xi32>
      %gather3A_120 = tpu.vector_load_idx %arg8[%add3A_119] : memref<1040xi32, #tpu.memory_space<vmem>>[vector<16xi32>], vector<16xi32>,
      %convert_element_type3A_121 = arith.sitofp %gather3A_120 : vector<16xi32> to vector<16xf32>
      %mul3A_122 = arith.mulf %convert_element_type3A, %div3A_20 : vector<16xf32>
      %jit3A = arith.constant 0.000000e+00 : f32
      %jit3A_123 = arith.constant 2.550000e+02 : f32
      %max3A = vector.broadcast %jit3A : f32 to vector<16xf32>
      %max3A_124 = arith.maximumf %max3A, %mul3A_122 : vector<16xf32>
      %min3A = vector.broadcast %jit3A_123 : f32 to vector<16xf32>
      %min3A_125 = arith.minimumf %min3A, %max3A_124 : vector<16xf32>
      %convert_element_type3A_126 = arith.fptosi %min3A_125 : vector<16xf32> to vector<16xi32>
      %mul3A_127 = arith.mulf %convert_element_type3A_121, %div3A_20 : vector<16xf32>
      %jit3A_128 = arith.constant 0.000000e+00 : f32
      %jit3A_129 = arith.constant 2.550000e+02 : f32
      %max3A_130 = vector.broadcast %jit3A_128 : f32 to vector<16xf32>
      %max3A_131 = arith.maximumf %max3A_130, %mul3A_127 : vector<16xf32>
      %min3A_132 = vector.broadcast %jit3A_129 : f32 to vector<16xf32>
      %min3A_133 = arith.minimumf %min3A_132, %max3A_131 : vector<16xf32>
      %convert_element_type3A_134 = arith.fptosi %min3A_133 : vector<16xf32> to vector<16xi32>
      %sub3A = vector.broadcast %mul3A_25 : i32 to vector<16xi32>
      %sub3A_135 = arith.subi %convert_element_type3A_134, %sub3A : vector<16xi32>
      %ge3A = arith.constant -2 : i32
      %ge3A_136 = vector.broadcast %ge3A : i32 to vector<16xi32>
      %ge3A_137 = arith.cmpi sge, %sub3A_135, %ge3A_136 : vector<16xi32>
      %le3A = arith.constant 129 : i32
      %le3A_138 = vector.broadcast %le3A : i32 to vector<16xi32>
      %le3A_139 = arith.cmpi sle, %sub3A_135, %le3A_138 : vector<16xi32>
      %and3A_140 = arith.andi %ge3A_137, %le3A_139 : vector<16xi1>
      %jit3A_141 = arith.constant -4 : i32
      %jit3A_142 = arith.constant 131 : i32
      %max3A_143 = vector.broadcast %jit3A_141 : i32 to vector<16xi32>
      %max3A_144 = arith.maxsi %max3A_143, %sub3A_135 : vector<16xi32>
      %min3A_145 = vector.broadcast %jit3A_142 : i32 to vector<16xi32>
      %min3A_146 = arith.minsi %min3A_145, %max3A_144 : vector<16xi32>
      %add3A_147 = arith.constant 7 : i32
      %add3A_148 = vector.broadcast %add3A_147 : i32 to vector<16xi32>
      %add3A_149 = arith.addi %min3A_146, %add3A_148 : vector<16xi32>
      %mul3A_150 = arith.constant 260 : i32
      %mul3A_151 = vector.broadcast %mul3A_150 : i32 to vector<16xi32>
      %mul3A_152 = arith.muli %add3A_149, %mul3A_151 : vector<16xi32>
      %add3A_153 = arith.constant 2 : i32
      %add3A_154 = vector.broadcast %add3A_153 : i32 to vector<16xi32>
      %add3A_155 = arith.addi %convert_element_type3A_126, %add3A_154 : vector<16xi32>
      %add3A_156 = arith.addi %mul3A_152, %add3A_155 : vector<16xi32>
      %swap3A_157 = arith.index_cast %scan3A_112 : i32 to index
      %swap3A_158 = tpu.vector_load %arg9[%swap3A_157] masked %and3A_140 {strides = array<i32>} : memref<528xi32, #tpu.memory_space<vmem>>, vector<16xi32>, vector<16xi1>
      tpu.vector_store %arg9[%swap3A_157], %add3A_156 masked %and3A_140 {strides = array<i32>} : memref<528xi32, #tpu.memory_space<vmem>>, vector<16xi32>, vector<16xi1>
      %all_reduce_population_count3A = tpu.all_reduce %and3A_140 {dim = 0 : i64, kind = #tpu.reduction_kind<sum>} : vector<16xi1> -> vector<16xi32>
      %reduce_max3A = arith.constant true
      %reduce_max3A_159 = vector.broadcast %reduce_max3A : i1 to vector<16xi1>
      %reduce_max3A_160 = arith.constant -2147483648 : i32
      %reduce_max3A_161 = vector.broadcast %reduce_max3A_160 : i32 to vector<16xi32>
      %reduce_max3A_162 = arith.xori %all_reduce_population_count3A, %reduce_max3A_161 : vector<16xi32>
      %reduce_max3A_163 = tpu.scan <max>, %reduce_max3A_162 masked %reduce_max3A_159 : vector<16xi32>, vector<16xi1> -> vector<16xi32>
      %reduce_max3A_164 = arith.xori %reduce_max3A_163, %reduce_max3A_161 : vector<16xi32>
      %reduce_max3A_165 = vector.extract %reduce_max3A_164[15] : i32 from vector<16xi32>
      %add3A_166 = arith.addi %scan3A_112, %reduce_max3A_165 : i32
      scf.yield %add3A_166 : i32
    }
    %scan3A_32 = arith.constant 32 : i32
    %broadcast_in_dim3A_33 = arith.constant 782 : i32
    %broadcast_in_dim3A_34 = vector.broadcast %broadcast_in_dim3A_33 : i32 to vector<16xi32>
    %swap3A = arith.index_cast %scan3A_31 : i32 to index
    %swap3A_35 = tpu.vector_load %arg9[%swap3A] {strides = array<i32>} : memref<528xi32, #tpu.memory_space<vmem>>, vector<16xi32>,
    tpu.vector_store %arg9[%swap3A], %broadcast_in_dim3A_34 {strides = array<i32>} : memref<528xi32, #tpu.memory_space<vmem>>, vector<16xi32>,
    %get3A_36 = arith.constant 0 : index
    %get3A_37 = tpu.vector_load %arg10[%get3A_36] {strides = array<i32>} : memref<64xi32, #tpu.memory_space<vmem>>, vector<16xi32>,
    %get3A_38 = arith.constant 16 : index
    %get3A_39 = tpu.vector_load %arg10[%get3A_38] {strides = array<i32>} : memref<64xi32, #tpu.memory_space<vmem>>, vector<16xi32>,
    %get3A_40 = arith.constant 32 : index
    %get3A_41 = tpu.vector_load %arg10[%get3A_40] {strides = array<i32>} : memref<64xi32, #tpu.memory_space<vmem>>, vector<16xi32>,
    %bitcast3A_42 = vector.bitcast %get3A_41 : vector<16xi32> to vector<16xf32>
    %get3A_43 = arith.constant 48 : index
    %get3A_44 = tpu.vector_load %arg10[%get3A_43] {strides = array<i32>} : memref<64xi32, #tpu.memory_space<vmem>>, vector<16xi32>,
    %bitcast3A_45 = vector.bitcast %get3A_44 : vector<16xi32> to vector<16xf32>
    %broadcast_in_dim3A_46 = arith.constant 0 : i32
    %broadcast_in_dim3A_47 = vector.broadcast %broadcast_in_dim3A_46 : i32 to vector<16x1xi32>
    %broadcast_in_dim3A_48 = arith.constant 1 : i32
    %broadcast_in_dim3A_49 = vector.broadcast %broadcast_in_dim3A_48 : i32 to vector<16x1xi32>
    %broadcast_in_dim3A_50 = arith.constant 2 : i32
    %broadcast_in_dim3A_51 = vector.broadcast %broadcast_in_dim3A_50 : i32 to vector<16x1xi32>
    %broadcast_in_dim3A_52 = arith.constant 3 : i32
    %broadcast_in_dim3A_53 = vector.broadcast %broadcast_in_dim3A_52 : i32 to vector<16x1xi32>
    %broadcast_in_dim3A_54 = arith.constant 4 : i32
    %broadcast_in_dim3A_55 = vector.broadcast %broadcast_in_dim3A_54 : i32 to vector<16x1xi32>
    %broadcast_in_dim3A_56 = arith.constant 5 : i32
    %broadcast_in_dim3A_57 = vector.broadcast %broadcast_in_dim3A_56 : i32 to vector<16x1xi32>
    %broadcast_in_dim3A_58 = arith.constant 6 : i32
    %broadcast_in_dim3A_59 = vector.broadcast %broadcast_in_dim3A_58 : i32 to vector<16x1xi32>
    %broadcast_in_dim3A_60 = arith.constant 7 : i32
    %broadcast_in_dim3A_61 = vector.broadcast %broadcast_in_dim3A_60 : i32 to vector<16x1xi32>
    %broadcast_in_dim3A_62 = arith.constant 8 : i32
    %broadcast_in_dim3A_63 = vector.broadcast %broadcast_in_dim3A_62 : i32 to vector<16x1xi32>
    %broadcast_in_dim3A_64 = arith.constant 9 : i32
    %broadcast_in_dim3A_65 = vector.broadcast %broadcast_in_dim3A_64 : i32 to vector<16x1xi32>
    %broadcast_in_dim3A_66 = arith.constant 10 : i32
    %broadcast_in_dim3A_67 = vector.broadcast %broadcast_in_dim3A_66 : i32 to vector<16x1xi32>
    %broadcast_in_dim3A_68 = arith.constant 11 : i32
    %broadcast_in_dim3A_69 = vector.broadcast %broadcast_in_dim3A_68 : i32 to vector<16x1xi32>
    %broadcast_in_dim3A_70 = arith.constant 12 : i32
    %broadcast_in_dim3A_71 = vector.broadcast %broadcast_in_dim3A_70 : i32 to vector<16x1xi32>
    %broadcast_in_dim3A_72 = arith.constant 13 : i32
    %broadcast_in_dim3A_73 = vector.broadcast %broadcast_in_dim3A_72 : i32 to vector<16x1xi32>
    %broadcast_in_dim3A_74 = arith.constant 14 : i32
    %broadcast_in_dim3A_75 = vector.broadcast %broadcast_in_dim3A_74 : i32 to vector<16x1xi32>
    %broadcast_in_dim3A_76 = arith.constant 15 : i32
    %broadcast_in_dim3A_77 = vector.broadcast %broadcast_in_dim3A_76 : i32 to vector<16x1xi32>
    %add3A_78 = arith.constant 15 : i32
    %add3A_79 = arith.addi %scan3A_31, %add3A_78 : i32
    %shift_right_arithmetic3A_80 = arith.constant 4 : i32
    %shift_right_arithmetic3A_81 = arith.shrsi %add3A_79, %shift_right_arithmetic3A_80 : i32
    %while3A = arith.constant 0 : i32
    %while3A_82 = arith.constant 0 : i32
    %while3A_83 = arith.subi %shift_right_arithmetic3A_81, %while3A : i32
    %while3A_84 = arith.addi %while3A, %while3A_83 : i32
    %while3A_85 = arith.constant 1 : i32
    %while3A_86 = arith.divsi %while3A_83, %while3A_85 : i32
    %while3A_87 = arith.muli %while3A_86, %while3A_85 : i32
    %while3A_88 = arith.addi %while3A, %while3A_87 : i32
    %while3A_89 = arith.constant 1 : i32
    %while3A_90 = scf.for %while3A_111 = %while3A to %while3A_88 step %while3A_89 iter_args(%while3A_112 = %while3A_82) -> (i32)  : i32 {
      %mul3A_113 = arith.constant 16 : i32
      %mul3A_114 = arith.muli %while3A_111, %mul3A_113 : i32
      %get3A_115 = arith.index_cast %mul3A_114 : i32 to index
      %get3A_116 = tpu.vector_load %arg9[%get3A_115] {strides = array<i32>} : memref<528xi32, #tpu.memory_space<vmem>>, vector<16xi32>,
      %gather3A = vector.shape_cast %broadcast_in_dim3A_47 : vector<16x1xi32> to vector<16xi32>
      %gather3A_117 = tpu.dynamic_gather %get3A_116[%gather3A] in [0] : vector<16xi32>, vector<16xi32> -> vector<16xi32>
      %add3A_118 = arith.addi %gather3A_117, %get3A_37 : vector<16xi32>
      tpu.vector_store_idx %arg6[%add3A_118], %bitcast3A_42 {add = true} : memref<36928xf32, #tpu.memory_space<vmem>>[vector<16xi32>], vector<16xf32>,
      %add3A_119 = arith.addi %gather3A_117, %get3A_39 : vector<16xi32>
      tpu.vector_store_idx %arg6[%add3A_119], %bitcast3A_45 {add = true} : memref<36928xf32, #tpu.memory_space<vmem>>[vector<16xi32>], vector<16xf32>,
      %gather3A_120 = vector.shape_cast %broadcast_in_dim3A_49 : vector<16x1xi32> to vector<16xi32>
      %gather3A_121 = tpu.dynamic_gather %get3A_116[%gather3A_120] in [0] : vector<16xi32>, vector<16xi32> -> vector<16xi32>
      %add3A_122 = arith.addi %gather3A_121, %get3A_37 : vector<16xi32>
      tpu.vector_store_idx %arg6[%add3A_122], %bitcast3A_42 {add = true} : memref<36928xf32, #tpu.memory_space<vmem>>[vector<16xi32>], vector<16xf32>,
      %add3A_123 = arith.addi %gather3A_121, %get3A_39 : vector<16xi32>
      tpu.vector_store_idx %arg6[%add3A_123], %bitcast3A_45 {add = true} : memref<36928xf32, #tpu.memory_space<vmem>>[vector<16xi32>], vector<16xf32>,
      %gather3A_124 = vector.shape_cast %broadcast_in_dim3A_51 : vector<16x1xi32> to vector<16xi32>
      %gather3A_125 = tpu.dynamic_gather %get3A_116[%gather3A_124] in [0] : vector<16xi32>, vector<16xi32> -> vector<16xi32>
      %add3A_126 = arith.addi %gather3A_125, %get3A_37 : vector<16xi32>
      tpu.vector_store_idx %arg6[%add3A_126], %bitcast3A_42 {add = true} : memref<36928xf32, #tpu.memory_space<vmem>>[vector<16xi32>], vector<16xf32>,
      %add3A_127 = arith.addi %gather3A_125, %get3A_39 : vector<16xi32>
      tpu.vector_store_idx %arg6[%add3A_127], %bitcast3A_45 {add = true} : memref<36928xf32, #tpu.memory_space<vmem>>[vector<16xi32>], vector<16xf32>,
      %gather3A_128 = vector.shape_cast %broadcast_in_dim3A_53 : vector<16x1xi32> to vector<16xi32>
      %gather3A_129 = tpu.dynamic_gather %get3A_116[%gather3A_128] in [0] : vector<16xi32>, vector<16xi32> -> vector<16xi32>
      %add3A_130 = arith.addi %gather3A_129, %get3A_37 : vector<16xi32>
      tpu.vector_store_idx %arg6[%add3A_130], %bitcast3A_42 {add = true} : memref<36928xf32, #tpu.memory_space<vmem>>[vector<16xi32>], vector<16xf32>,
      %add3A_131 = arith.addi %gather3A_129, %get3A_39 : vector<16xi32>
      tpu.vector_store_idx %arg6[%add3A_131], %bitcast3A_45 {add = true} : memref<36928xf32, #tpu.memory_space<vmem>>[vector<16xi32>], vector<16xf32>,
      %gather3A_132 = vector.shape_cast %broadcast_in_dim3A_55 : vector<16x1xi32> to vector<16xi32>
      %gather3A_133 = tpu.dynamic_gather %get3A_116[%gather3A_132] in [0] : vector<16xi32>, vector<16xi32> -> vector<16xi32>
      %add3A_134 = arith.addi %gather3A_133, %get3A_37 : vector<16xi32>
      tpu.vector_store_idx %arg6[%add3A_134], %bitcast3A_42 {add = true} : memref<36928xf32, #tpu.memory_space<vmem>>[vector<16xi32>], vector<16xf32>,
      %add3A_135 = arith.addi %gather3A_133, %get3A_39 : vector<16xi32>
      tpu.vector_store_idx %arg6[%add3A_135], %bitcast3A_45 {add = true} : memref<36928xf32, #tpu.memory_space<vmem>>[vector<16xi32>], vector<16xf32>,
      %gather3A_136 = vector.shape_cast %broadcast_in_dim3A_57 : vector<16x1xi32> to vector<16xi32>
      %gather3A_137 = tpu.dynamic_gather %get3A_116[%gather3A_136] in [0] : vector<16xi32>, vector<16xi32> -> vector<16xi32>
      %add3A_138 = arith.addi %gather3A_137, %get3A_37 : vector<16xi32>
      tpu.vector_store_idx %arg6[%add3A_138], %bitcast3A_42 {add = true} : memref<36928xf32, #tpu.memory_space<vmem>>[vector<16xi32>], vector<16xf32>,
      %add3A_139 = arith.addi %gather3A_137, %get3A_39 : vector<16xi32>
      tpu.vector_store_idx %arg6[%add3A_139], %bitcast3A_45 {add = true} : memref<36928xf32, #tpu.memory_space<vmem>>[vector<16xi32>], vector<16xf32>,
      %gather3A_140 = vector.shape_cast %broadcast_in_dim3A_59 : vector<16x1xi32> to vector<16xi32>
      %gather3A_141 = tpu.dynamic_gather %get3A_116[%gather3A_140] in [0] : vector<16xi32>, vector<16xi32> -> vector<16xi32>
      %add3A_142 = arith.addi %gather3A_141, %get3A_37 : vector<16xi32>
      tpu.vector_store_idx %arg6[%add3A_142], %bitcast3A_42 {add = true} : memref<36928xf32, #tpu.memory_space<vmem>>[vector<16xi32>], vector<16xf32>,
      %add3A_143 = arith.addi %gather3A_141, %get3A_39 : vector<16xi32>
      tpu.vector_store_idx %arg6[%add3A_143], %bitcast3A_45 {add = true} : memref<36928xf32, #tpu.memory_space<vmem>>[vector<16xi32>], vector<16xf32>,
      %gather3A_144 = vector.shape_cast %broadcast_in_dim3A_61 : vector<16x1xi32> to vector<16xi32>
      %gather3A_145 = tpu.dynamic_gather %get3A_116[%gather3A_144] in [0] : vector<16xi32>, vector<16xi32> -> vector<16xi32>
      %add3A_146 = arith.addi %gather3A_145, %get3A_37 : vector<16xi32>
      tpu.vector_store_idx %arg6[%add3A_146], %bitcast3A_42 {add = true} : memref<36928xf32, #tpu.memory_space<vmem>>[vector<16xi32>], vector<16xf32>,
      %add3A_147 = arith.addi %gather3A_145, %get3A_39 : vector<16xi32>
      tpu.vector_store_idx %arg6[%add3A_147], %bitcast3A_45 {add = true} : memref<36928xf32, #tpu.memory_space<vmem>>[vector<16xi32>], vector<16xf32>,
      %gather3A_148 = vector.shape_cast %broadcast_in_dim3A_63 : vector<16x1xi32> to vector<16xi32>
      %gather3A_149 = tpu.dynamic_gather %get3A_116[%gather3A_148] in [0] : vector<16xi32>, vector<16xi32> -> vector<16xi32>
      %add3A_150 = arith.addi %gather3A_149, %get3A_37 : vector<16xi32>
      tpu.vector_store_idx %arg6[%add3A_150], %bitcast3A_42 {add = true} : memref<36928xf32, #tpu.memory_space<vmem>>[vector<16xi32>], vector<16xf32>,
      %add3A_151 = arith.addi %gather3A_149, %get3A_39 : vector<16xi32>
      tpu.vector_store_idx %arg6[%add3A_151], %bitcast3A_45 {add = true} : memref<36928xf32, #tpu.memory_space<vmem>>[vector<16xi32>], vector<16xf32>,
      %gather3A_152 = vector.shape_cast %broadcast_in_dim3A_65 : vector<16x1xi32> to vector<16xi32>
      %gather3A_153 = tpu.dynamic_gather %get3A_116[%gather3A_152] in [0] : vector<16xi32>, vector<16xi32> -> vector<16xi32>
      %add3A_154 = arith.addi %gather3A_153, %get3A_37 : vector<16xi32>
      tpu.vector_store_idx %arg6[%add3A_154], %bitcast3A_42 {add = true} : memref<36928xf32, #tpu.memory_space<vmem>>[vector<16xi32>], vector<16xf32>,
      %add3A_155 = arith.addi %gather3A_153, %get3A_39 : vector<16xi32>
      tpu.vector_store_idx %arg6[%add3A_155], %bitcast3A_45 {add = true} : memref<36928xf32, #tpu.memory_space<vmem>>[vector<16xi32>], vector<16xf32>,
      %gather3A_156 = vector.shape_cast %broadcast_in_dim3A_67 : vector<16x1xi32> to vector<16xi32>
      %gather3A_157 = tpu.dynamic_gather %get3A_116[%gather3A_156] in [0] : vector<16xi32>, vector<16xi32> -> vector<16xi32>
      %add3A_158 = arith.addi %gather3A_157, %get3A_37 : vector<16xi32>
      tpu.vector_store_idx %arg6[%add3A_158], %bitcast3A_42 {add = true} : memref<36928xf32, #tpu.memory_space<vmem>>[vector<16xi32>], vector<16xf32>,
      %add3A_159 = arith.addi %gather3A_157, %get3A_39 : vector<16xi32>
      tpu.vector_store_idx %arg6[%add3A_159], %bitcast3A_45 {add = true} : memref<36928xf32, #tpu.memory_space<vmem>>[vector<16xi32>], vector<16xf32>,
      %gather3A_160 = vector.shape_cast %broadcast_in_dim3A_69 : vector<16x1xi32> to vector<16xi32>
      %gather3A_161 = tpu.dynamic_gather %get3A_116[%gather3A_160] in [0] : vector<16xi32>, vector<16xi32> -> vector<16xi32>
      %add3A_162 = arith.addi %gather3A_161, %get3A_37 : vector<16xi32>
      tpu.vector_store_idx %arg6[%add3A_162], %bitcast3A_42 {add = true} : memref<36928xf32, #tpu.memory_space<vmem>>[vector<16xi32>], vector<16xf32>,
      %add3A_163 = arith.addi %gather3A_161, %get3A_39 : vector<16xi32>
      tpu.vector_store_idx %arg6[%add3A_163], %bitcast3A_45 {add = true} : memref<36928xf32, #tpu.memory_space<vmem>>[vector<16xi32>], vector<16xf32>,
      %gather3A_164 = vector.shape_cast %broadcast_in_dim3A_71 : vector<16x1xi32> to vector<16xi32>
      %gather3A_165 = tpu.dynamic_gather %get3A_116[%gather3A_164] in [0] : vector<16xi32>, vector<16xi32> -> vector<16xi32>
      %add3A_166 = arith.addi %gather3A_165, %get3A_37 : vector<16xi32>
      tpu.vector_store_idx %arg6[%add3A_166], %bitcast3A_42 {add = true} : memref<36928xf32, #tpu.memory_space<vmem>>[vector<16xi32>], vector<16xf32>,
      %add3A_167 = arith.addi %gather3A_165, %get3A_39 : vector<16xi32>
      tpu.vector_store_idx %arg6[%add3A_167], %bitcast3A_45 {add = true} : memref<36928xf32, #tpu.memory_space<vmem>>[vector<16xi32>], vector<16xf32>,
      %gather3A_168 = vector.shape_cast %broadcast_in_dim3A_73 : vector<16x1xi32> to vector<16xi32>
      %gather3A_169 = tpu.dynamic_gather %get3A_116[%gather3A_168] in [0] : vector<16xi32>, vector<16xi32> -> vector<16xi32>
      %add3A_170 = arith.addi %gather3A_169, %get3A_37 : vector<16xi32>
      tpu.vector_store_idx %arg6[%add3A_170], %bitcast3A_42 {add = true} : memref<36928xf32, #tpu.memory_space<vmem>>[vector<16xi32>], vector<16xf32>,
      %add3A_171 = arith.addi %gather3A_169, %get3A_39 : vector<16xi32>
      tpu.vector_store_idx %arg6[%add3A_171], %bitcast3A_45 {add = true} : memref<36928xf32, #tpu.memory_space<vmem>>[vector<16xi32>], vector<16xf32>,
      %gather3A_172 = vector.shape_cast %broadcast_in_dim3A_75 : vector<16x1xi32> to vector<16xi32>
      %gather3A_173 = tpu.dynamic_gather %get3A_116[%gather3A_172] in [0] : vector<16xi32>, vector<16xi32> -> vector<16xi32>
      %add3A_174 = arith.addi %gather3A_173, %get3A_37 : vector<16xi32>
      tpu.vector_store_idx %arg6[%add3A_174], %bitcast3A_42 {add = true} : memref<36928xf32, #tpu.memory_space<vmem>>[vector<16xi32>], vector<16xf32>,
      %add3A_175 = arith.addi %gather3A_173, %get3A_39 : vector<16xi32>
      tpu.vector_store_idx %arg6[%add3A_175], %bitcast3A_45 {add = true} : memref<36928xf32, #tpu.memory_space<vmem>>[vector<16xi32>], vector<16xf32>,
      %gather3A_176 = vector.shape_cast %broadcast_in_dim3A_77 : vector<16x1xi32> to vector<16xi32>
      %gather3A_177 = tpu.dynamic_gather %get3A_116[%gather3A_176] in [0] : vector<16xi32>, vector<16xi32> -> vector<16xi32>
      %add3A_178 = arith.addi %gather3A_177, %get3A_37 : vector<16xi32>
      tpu.vector_store_idx %arg6[%add3A_178], %bitcast3A_42 {add = true} : memref<36928xf32, #tpu.memory_space<vmem>>[vector<16xi32>], vector<16xf32>,
      %add3A_179 = arith.addi %gather3A_177, %get3A_39 : vector<16xi32>
      tpu.vector_store_idx %arg6[%add3A_179], %bitcast3A_45 {add = true} : memref<36928xf32, #tpu.memory_space<vmem>>[vector<16xi32>], vector<16xf32>,
      %while3A_180 = arith.constant 0 : i32
      scf.yield %while3A_180 : i32
    }
    %while3A_91 = arith.constant 1 : i32
    %while3A_92 = scf.for %while3A_111 = %while3A_88 to %while3A_84 step %while3A_91 iter_args(%while3A_112 = %while3A_90) -> (i32)  : i32 {
      %mul3A_113 = arith.constant 16 : i32
      %mul3A_114 = arith.muli %while3A_111, %mul3A_113 : i32
      %get3A_115 = arith.index_cast %mul3A_114 : i32 to index
      %get3A_116 = tpu.vector_load %arg9[%get3A_115] {strides = array<i32>} : memref<528xi32, #tpu.memory_space<vmem>>, vector<16xi32>,
      %gather3A = vector.shape_cast %broadcast_in_dim3A_47 : vector<16x1xi32> to vector<16xi32>
      %gather3A_117 = tpu.dynamic_gather %get3A_116[%gather3A] in [0] : vector<16xi32>, vector<16xi32> -> vector<16xi32>
      %add3A_118 = arith.addi %gather3A_117, %get3A_37 : vector<16xi32>
      tpu.vector_store_idx %arg6[%add3A_118], %bitcast3A_42 {add = true} : memref<36928xf32, #tpu.memory_space<vmem>>[vector<16xi32>], vector<16xf32>,
      %add3A_119 = arith.addi %gather3A_117, %get3A_39 : vector<16xi32>
      tpu.vector_store_idx %arg6[%add3A_119], %bitcast3A_45 {add = true} : memref<36928xf32, #tpu.memory_space<vmem>>[vector<16xi32>], vector<16xf32>,
      %gather3A_120 = vector.shape_cast %broadcast_in_dim3A_49 : vector<16x1xi32> to vector<16xi32>
      %gather3A_121 = tpu.dynamic_gather %get3A_116[%gather3A_120] in [0] : vector<16xi32>, vector<16xi32> -> vector<16xi32>
      %add3A_122 = arith.addi %gather3A_121, %get3A_37 : vector<16xi32>
      tpu.vector_store_idx %arg6[%add3A_122], %bitcast3A_42 {add = true} : memref<36928xf32, #tpu.memory_space<vmem>>[vector<16xi32>], vector<16xf32>,
      %add3A_123 = arith.addi %gather3A_121, %get3A_39 : vector<16xi32>
      tpu.vector_store_idx %arg6[%add3A_123], %bitcast3A_45 {add = true} : memref<36928xf32, #tpu.memory_space<vmem>>[vector<16xi32>], vector<16xf32>,
      %gather3A_124 = vector.shape_cast %broadcast_in_dim3A_51 : vector<16x1xi32> to vector<16xi32>
      %gather3A_125 = tpu.dynamic_gather %get3A_116[%gather3A_124] in [0] : vector<16xi32>, vector<16xi32> -> vector<16xi32>
      %add3A_126 = arith.addi %gather3A_125, %get3A_37 : vector<16xi32>
      tpu.vector_store_idx %arg6[%add3A_126], %bitcast3A_42 {add = true} : memref<36928xf32, #tpu.memory_space<vmem>>[vector<16xi32>], vector<16xf32>,
      %add3A_127 = arith.addi %gather3A_125, %get3A_39 : vector<16xi32>
      tpu.vector_store_idx %arg6[%add3A_127], %bitcast3A_45 {add = true} : memref<36928xf32, #tpu.memory_space<vmem>>[vector<16xi32>], vector<16xf32>,
      %gather3A_128 = vector.shape_cast %broadcast_in_dim3A_53 : vector<16x1xi32> to vector<16xi32>
      %gather3A_129 = tpu.dynamic_gather %get3A_116[%gather3A_128] in [0] : vector<16xi32>, vector<16xi32> -> vector<16xi32>
      %add3A_130 = arith.addi %gather3A_129, %get3A_37 : vector<16xi32>
      tpu.vector_store_idx %arg6[%add3A_130], %bitcast3A_42 {add = true} : memref<36928xf32, #tpu.memory_space<vmem>>[vector<16xi32>], vector<16xf32>,
      %add3A_131 = arith.addi %gather3A_129, %get3A_39 : vector<16xi32>
      tpu.vector_store_idx %arg6[%add3A_131], %bitcast3A_45 {add = true} : memref<36928xf32, #tpu.memory_space<vmem>>[vector<16xi32>], vector<16xf32>,
      %gather3A_132 = vector.shape_cast %broadcast_in_dim3A_55 : vector<16x1xi32> to vector<16xi32>
      %gather3A_133 = tpu.dynamic_gather %get3A_116[%gather3A_132] in [0] : vector<16xi32>, vector<16xi32> -> vector<16xi32>
      %add3A_134 = arith.addi %gather3A_133, %get3A_37 : vector<16xi32>
      tpu.vector_store_idx %arg6[%add3A_134], %bitcast3A_42 {add = true} : memref<36928xf32, #tpu.memory_space<vmem>>[vector<16xi32>], vector<16xf32>,
      %add3A_135 = arith.addi %gather3A_133, %get3A_39 : vector<16xi32>
      tpu.vector_store_idx %arg6[%add3A_135], %bitcast3A_45 {add = true} : memref<36928xf32, #tpu.memory_space<vmem>>[vector<16xi32>], vector<16xf32>,
      %gather3A_136 = vector.shape_cast %broadcast_in_dim3A_57 : vector<16x1xi32> to vector<16xi32>
      %gather3A_137 = tpu.dynamic_gather %get3A_116[%gather3A_136] in [0] : vector<16xi32>, vector<16xi32> -> vector<16xi32>
      %add3A_138 = arith.addi %gather3A_137, %get3A_37 : vector<16xi32>
      tpu.vector_store_idx %arg6[%add3A_138], %bitcast3A_42 {add = true} : memref<36928xf32, #tpu.memory_space<vmem>>[vector<16xi32>], vector<16xf32>,
      %add3A_139 = arith.addi %gather3A_137, %get3A_39 : vector<16xi32>
      tpu.vector_store_idx %arg6[%add3A_139], %bitcast3A_45 {add = true} : memref<36928xf32, #tpu.memory_space<vmem>>[vector<16xi32>], vector<16xf32>,
      %gather3A_140 = vector.shape_cast %broadcast_in_dim3A_59 : vector<16x1xi32> to vector<16xi32>
      %gather3A_141 = tpu.dynamic_gather %get3A_116[%gather3A_140] in [0] : vector<16xi32>, vector<16xi32> -> vector<16xi32>
      %add3A_142 = arith.addi %gather3A_141, %get3A_37 : vector<16xi32>
      tpu.vector_store_idx %arg6[%add3A_142], %bitcast3A_42 {add = true} : memref<36928xf32, #tpu.memory_space<vmem>>[vector<16xi32>], vector<16xf32>,
      %add3A_143 = arith.addi %gather3A_141, %get3A_39 : vector<16xi32>
      tpu.vector_store_idx %arg6[%add3A_143], %bitcast3A_45 {add = true} : memref<36928xf32, #tpu.memory_space<vmem>>[vector<16xi32>], vector<16xf32>,
      %gather3A_144 = vector.shape_cast %broadcast_in_dim3A_61 : vector<16x1xi32> to vector<16xi32>
      %gather3A_145 = tpu.dynamic_gather %get3A_116[%gather3A_144] in [0] : vector<16xi32>, vector<16xi32> -> vector<16xi32>
      %add3A_146 = arith.addi %gather3A_145, %get3A_37 : vector<16xi32>
      tpu.vector_store_idx %arg6[%add3A_146], %bitcast3A_42 {add = true} : memref<36928xf32, #tpu.memory_space<vmem>>[vector<16xi32>], vector<16xf32>,
      %add3A_147 = arith.addi %gather3A_145, %get3A_39 : vector<16xi32>
      tpu.vector_store_idx %arg6[%add3A_147], %bitcast3A_45 {add = true} : memref<36928xf32, #tpu.memory_space<vmem>>[vector<16xi32>], vector<16xf32>,
      %gather3A_148 = vector.shape_cast %broadcast_in_dim3A_63 : vector<16x1xi32> to vector<16xi32>
      %gather3A_149 = tpu.dynamic_gather %get3A_116[%gather3A_148] in [0] : vector<16xi32>, vector<16xi32> -> vector<16xi32>
      %add3A_150 = arith.addi %gather3A_149, %get3A_37 : vector<16xi32>
      tpu.vector_store_idx %arg6[%add3A_150], %bitcast3A_42 {add = true} : memref<36928xf32, #tpu.memory_space<vmem>>[vector<16xi32>], vector<16xf32>,
      %add3A_151 = arith.addi %gather3A_149, %get3A_39 : vector<16xi32>
      tpu.vector_store_idx %arg6[%add3A_151], %bitcast3A_45 {add = true} : memref<36928xf32, #tpu.memory_space<vmem>>[vector<16xi32>], vector<16xf32>,
      %gather3A_152 = vector.shape_cast %broadcast_in_dim3A_65 : vector<16x1xi32> to vector<16xi32>
      %gather3A_153 = tpu.dynamic_gather %get3A_116[%gather3A_152] in [0] : vector<16xi32>, vector<16xi32> -> vector<16xi32>
      %add3A_154 = arith.addi %gather3A_153, %get3A_37 : vector<16xi32>
      tpu.vector_store_idx %arg6[%add3A_154], %bitcast3A_42 {add = true} : memref<36928xf32, #tpu.memory_space<vmem>>[vector<16xi32>], vector<16xf32>,
      %add3A_155 = arith.addi %gather3A_153, %get3A_39 : vector<16xi32>
      tpu.vector_store_idx %arg6[%add3A_155], %bitcast3A_45 {add = true} : memref<36928xf32, #tpu.memory_space<vmem>>[vector<16xi32>], vector<16xf32>,
      %gather3A_156 = vector.shape_cast %broadcast_in_dim3A_67 : vector<16x1xi32> to vector<16xi32>
      %gather3A_157 = tpu.dynamic_gather %get3A_116[%gather3A_156] in [0] : vector<16xi32>, vector<16xi32> -> vector<16xi32>
      %add3A_158 = arith.addi %gather3A_157, %get3A_37 : vector<16xi32>
      tpu.vector_store_idx %arg6[%add3A_158], %bitcast3A_42 {add = true} : memref<36928xf32, #tpu.memory_space<vmem>>[vector<16xi32>], vector<16xf32>,
      %add3A_159 = arith.addi %gather3A_157, %get3A_39 : vector<16xi32>
      tpu.vector_store_idx %arg6[%add3A_159], %bitcast3A_45 {add = true} : memref<36928xf32, #tpu.memory_space<vmem>>[vector<16xi32>], vector<16xf32>,
      %gather3A_160 = vector.shape_cast %broadcast_in_dim3A_69 : vector<16x1xi32> to vector<16xi32>
      %gather3A_161 = tpu.dynamic_gather %get3A_116[%gather3A_160] in [0] : vector<16xi32>, vector<16xi32> -> vector<16xi32>
      %add3A_162 = arith.addi %gather3A_161, %get3A_37 : vector<16xi32>
      tpu.vector_store_idx %arg6[%add3A_162], %bitcast3A_42 {add = true} : memref<36928xf32, #tpu.memory_space<vmem>>[vector<16xi32>], vector<16xf32>,
      %add3A_163 = arith.addi %gather3A_161, %get3A_39 : vector<16xi32>
      tpu.vector_store_idx %arg6[%add3A_163], %bitcast3A_45 {add = true} : memref<36928xf32, #tpu.memory_space<vmem>>[vector<16xi32>], vector<16xf32>,
      %gather3A_164 = vector.shape_cast %broadcast_in_dim3A_71 : vector<16x1xi32> to vector<16xi32>
      %gather3A_165 = tpu.dynamic_gather %get3A_116[%gather3A_164] in [0] : vector<16xi32>, vector<16xi32> -> vector<16xi32>
      %add3A_166 = arith.addi %gather3A_165, %get3A_37 : vector<16xi32>
      tpu.vector_store_idx %arg6[%add3A_166], %bitcast3A_42 {add = true} : memref<36928xf32, #tpu.memory_space<vmem>>[vector<16xi32>], vector<16xf32>,
      %add3A_167 = arith.addi %gather3A_165, %get3A_39 : vector<16xi32>
      tpu.vector_store_idx %arg6[%add3A_167], %bitcast3A_45 {add = true} : memref<36928xf32, #tpu.memory_space<vmem>>[vector<16xi32>], vector<16xf32>,
      %gather3A_168 = vector.shape_cast %broadcast_in_dim3A_73 : vector<16x1xi32> to vector<16xi32>
      %gather3A_169 = tpu.dynamic_gather %get3A_116[%gather3A_168] in [0] : vector<16xi32>, vector<16xi32> -> vector<16xi32>
      %add3A_170 = arith.addi %gather3A_169, %get3A_37 : vector<16xi32>
      tpu.vector_store_idx %arg6[%add3A_170], %bitcast3A_42 {add = true} : memref<36928xf32, #tpu.memory_space<vmem>>[vector<16xi32>], vector<16xf32>,
      %add3A_171 = arith.addi %gather3A_169, %get3A_39 : vector<16xi32>
      tpu.vector_store_idx %arg6[%add3A_171], %bitcast3A_45 {add = true} : memref<36928xf32, #tpu.memory_space<vmem>>[vector<16xi32>], vector<16xf32>,
      %gather3A_172 = vector.shape_cast %broadcast_in_dim3A_75 : vector<16x1xi32> to vector<16xi32>
      %gather3A_173 = tpu.dynamic_gather %get3A_116[%gather3A_172] in [0] : vector<16xi32>, vector<16xi32> -> vector<16xi32>
      %add3A_174 = arith.addi %gather3A_173, %get3A_37 : vector<16xi32>
      tpu.vector_store_idx %arg6[%add3A_174], %bitcast3A_42 {add = true} : memref<36928xf32, #tpu.memory_space<vmem>>[vector<16xi32>], vector<16xf32>,
      %add3A_175 = arith.addi %gather3A_173, %get3A_39 : vector<16xi32>
      tpu.vector_store_idx %arg6[%add3A_175], %bitcast3A_45 {add = true} : memref<36928xf32, #tpu.memory_space<vmem>>[vector<16xi32>], vector<16xf32>,
      %gather3A_176 = vector.shape_cast %broadcast_in_dim3A_77 : vector<16x1xi32> to vector<16xi32>
      %gather3A_177 = tpu.dynamic_gather %get3A_116[%gather3A_176] in [0] : vector<16xi32>, vector<16xi32> -> vector<16xi32>
      %add3A_178 = arith.addi %gather3A_177, %get3A_37 : vector<16xi32>
      tpu.vector_store_idx %arg6[%add3A_178], %bitcast3A_42 {add = true} : memref<36928xf32, #tpu.memory_space<vmem>>[vector<16xi32>], vector<16xf32>,
      %add3A_179 = arith.addi %gather3A_177, %get3A_39 : vector<16xi32>
      tpu.vector_store_idx %arg6[%add3A_179], %bitcast3A_45 {add = true} : memref<36928xf32, #tpu.memory_space<vmem>>[vector<16xi32>], vector<16xf32>,
      %while3A_180 = arith.constant 0 : i32
      scf.yield %while3A_180 : i32
    }
    %dma_wait3A = arith.constant 0 : i32
    %dma_wait3A_93 = arith.constant 0 : i32
    %dma_wait3A_94 = tpu.memref_slice %arg2[%shift_right_arithmetic3A_1, %dma_wait3A, %mul3A_4, %dma_wait3A_93] : memref<16x1x256x256xf32, #tpu.memory_space<hbm>> -> memref<1x1x128x256xf32, #tpu.memory_space<hbm>>
    %dma_wait3A_95 = tpu.memref_squeeze %dma_wait3A_94 : memref<1x1x128x256xf32, #tpu.memory_space<hbm>> -> memref<128x256xf32, #tpu.memory_space<hbm>>
    %dma_wait3A_96 = arith.constant 0 : i32
    %dma_wait3A_97 = tpu.memref_slice %arg2[%shift_right_arithmetic3A_1, %dma_wait3A, %mul3A_4, %dma_wait3A_96] : memref<16x1x256x256xf32, #tpu.memory_space<hbm>> -> memref<1x1x128x256xf32, #tpu.memory_space<hbm>>
    %dma_wait3A_98 = tpu.memref_squeeze %dma_wait3A_97 : memref<1x1x128x256xf32, #tpu.memory_space<hbm>> -> memref<128x256xf32, #tpu.memory_space<hbm>>
    tpu.wait_dma2 semaphore(%arg12 : memref<!tpu.dma_semaphore, #tpu.memory_space<semaphore_mem>>) src(%dma_wait3A_98 : memref<128x256xf32, #tpu.memory_space<hbm>>) dst(%arg7 : memref<128x256xf32, #tpu.memory_space<vmem>>)
    %scan3A_99 = arith.constant 0 : i32
    %scan3A_100 = arith.constant 128 : i32
    %scan3A_101 = arith.addi %scan3A_99, %scan3A_100 : i32
    %scan3A_102 = arith.constant 2 : i32
    %scan3A_103:3 = scf.for %scan3A_111 = %scan3A_99 to %scan3A_101 step %scan3A_102 iter_args(%scan3A_112 = %broadcast_in_dim3A_11, %scan3A_113 = %broadcast_in_dim3A_11, %scan3A_114 = %broadcast_in_dim3A_11) -> (vector<16xf32>, vector<16xf32>, vector<16xf32>)  : i32 {
      %mul3A_115 = arith.constant 260 : i32
      %mul3A_116 = arith.muli %scan3A_111, %mul3A_115 : i32
      %add3A_117 = arith.constant 1822 : i32
      %add3A_118 = arith.addi %add3A_117, %mul3A_116 : i32
      %get3A_119 = arith.index_cast %scan3A_111 : i32 to index
      %get3A_120 = arith.constant 0 : index
      %get3A_121 = tpu.vector_load %arg7[%get3A_119, %get3A_120] {strides = array<i32>} : memref<128x256xf32, #tpu.memory_space<vmem>>, vector<16xf32>,
      %add3A_122 = arith.constant 0 : i32
      %add3A_123 = arith.addi %add3A_118, %add3A_122 : i32
      %get3A_124 = arith.index_cast %add3A_123 : i32 to index
      %get3A_125 = tpu.vector_load %arg6[%get3A_124] {strides = array<i32>} : memref<36928xf32, #tpu.memory_space<vmem>>, vector<16xf32>,
      %mul3A_126 = arith.mulf %get3A_121, %get3A_125 : vector<16xf32>
      %add3A_127 = arith.addf %scan3A_112, %mul3A_126 : vector<16xf32>
      %add3A_128 = arith.addf %scan3A_113, %get3A_125 : vector<16xf32>
      %mul3A_129 = arith.mulf %get3A_125, %get3A_125 : vector<16xf32>
      %add3A_130 = arith.addf %scan3A_114, %mul3A_129 : vector<16xf32>
      %get3A_131 = arith.index_cast %scan3A_111 : i32 to index
      %get3A_132 = arith.constant 16 : index
      %get3A_133 = tpu.vector_load %arg7[%get3A_131, %get3A_132] {strides = array<i32>} : memref<128x256xf32, #tpu.memory_space<vmem>>, vector<16xf32>,
      %add3A_134 = arith.constant 16 : i32
      %add3A_135 = arith.addi %add3A_118, %add3A_134 : i32
      %get3A_136 = arith.index_cast %add3A_135 : i32 to index
      %get3A_137 = tpu.vector_load %arg6[%get3A_136] {strides = array<i32>} : memref<36928xf32, #tpu.memory_space<vmem>>, vector<16xf32>,
      %mul3A_138 = arith.mulf %get3A_133, %get3A_137 : vector<16xf32>
      %add3A_139 = arith.addf %add3A_127, %mul3A_138 : vector<16xf32>
      %add3A_140 = arith.addf %add3A_128, %get3A_137 : vector<16xf32>
      %mul3A_141 = arith.mulf %get3A_137, %get3A_137 : vector<16xf32>
      %add3A_142 = arith.addf %add3A_130, %mul3A_141 : vector<16xf32>
      %get3A_143 = arith.index_cast %scan3A_111 : i32 to index
      %get3A_144 = arith.constant 32 : index
      %get3A_145 = tpu.vector_load %arg7[%get3A_143, %get3A_144] {strides = array<i32>} : memref<128x256xf32, #tpu.memory_space<vmem>>, vector<16xf32>,
      %add3A_146 = arith.constant 32 : i32
      %add3A_147 = arith.addi %add3A_118, %add3A_146 : i32
      %get3A_148 = arith.index_cast %add3A_147 : i32 to index
      %get3A_149 = tpu.vector_load %arg6[%get3A_148] {strides = array<i32>} : memref<36928xf32, #tpu.memory_space<vmem>>, vector<16xf32>,
      %mul3A_150 = arith.mulf %get3A_145, %get3A_149 : vector<16xf32>
      %add3A_151 = arith.addf %add3A_139, %mul3A_150 : vector<16xf32>
      %add3A_152 = arith.addf %add3A_140, %get3A_149 : vector<16xf32>
      %mul3A_153 = arith.mulf %get3A_149, %get3A_149 : vector<16xf32>
      %add3A_154 = arith.addf %add3A_142, %mul3A_153 : vector<16xf32>
      %get3A_155 = arith.index_cast %scan3A_111 : i32 to index
      %get3A_156 = arith.constant 48 : index
      %get3A_157 = tpu.vector_load %arg7[%get3A_155, %get3A_156] {strides = array<i32>} : memref<128x256xf32, #tpu.memory_space<vmem>>, vector<16xf32>,
      %add3A_158 = arith.constant 48 : i32
      %add3A_159 = arith.addi %add3A_118, %add3A_158 : i32
      %get3A_160 = arith.index_cast %add3A_159 : i32 to index
      %get3A_161 = tpu.vector_load %arg6[%get3A_160] {strides = array<i32>} : memref<36928xf32, #tpu.memory_space<vmem>>, vector<16xf32>,
      %mul3A_162 = arith.mulf %get3A_157, %get3A_161 : vector<16xf32>
      %add3A_163 = arith.addf %add3A_151, %mul3A_162 : vector<16xf32>
      %add3A_164 = arith.addf %add3A_152, %get3A_161 : vector<16xf32>
      %mul3A_165 = arith.mulf %get3A_161, %get3A_161 : vector<16xf32>
      %add3A_166 = arith.addf %add3A_154, %mul3A_165 : vector<16xf32>
      %get3A_167 = arith.index_cast %scan3A_111 : i32 to index
      %get3A_168 = arith.constant 64 : index
      %get3A_169 = tpu.vector_load %arg7[%get3A_167, %get3A_168] {strides = array<i32>} : memref<128x256xf32, #tpu.memory_space<vmem>>, vector<16xf32>,
      %add3A_170 = arith.constant 64 : i32
      %add3A_171 = arith.addi %add3A_118, %add3A_170 : i32
      %get3A_172 = arith.index_cast %add3A_171 : i32 to index
      %get3A_173 = tpu.vector_load %arg6[%get3A_172] {strides = array<i32>} : memref<36928xf32, #tpu.memory_space<vmem>>, vector<16xf32>,
      %mul3A_174 = arith.mulf %get3A_169, %get3A_173 : vector<16xf32>
      %add3A_175 = arith.addf %add3A_163, %mul3A_174 : vector<16xf32>
      %add3A_176 = arith.addf %add3A_164, %get3A_173 : vector<16xf32>
      %mul3A_177 = arith.mulf %get3A_173, %get3A_173 : vector<16xf32>
      %add3A_178 = arith.addf %add3A_166, %mul3A_177 : vector<16xf32>
      %get3A_179 = arith.index_cast %scan3A_111 : i32 to index
      %get3A_180 = arith.constant 80 : index
      %get3A_181 = tpu.vector_load %arg7[%get3A_179, %get3A_180] {strides = array<i32>} : memref<128x256xf32, #tpu.memory_space<vmem>>, vector<16xf32>,
      %add3A_182 = arith.constant 80 : i32
      %add3A_183 = arith.addi %add3A_118, %add3A_182 : i32
      %get3A_184 = arith.index_cast %add3A_183 : i32 to index
      %get3A_185 = tpu.vector_load %arg6[%get3A_184] {strides = array<i32>} : memref<36928xf32, #tpu.memory_space<vmem>>, vector<16xf32>,
      %mul3A_186 = arith.mulf %get3A_181, %get3A_185 : vector<16xf32>
      %add3A_187 = arith.addf %add3A_175, %mul3A_186 : vector<16xf32>
      %add3A_188 = arith.addf %add3A_176, %get3A_185 : vector<16xf32>
      %mul3A_189 = arith.mulf %get3A_185, %get3A_185 : vector<16xf32>
      %add3A_190 = arith.addf %add3A_178, %mul3A_189 : vector<16xf32>
      %get3A_191 = arith.index_cast %scan3A_111 : i32 to index
      %get3A_192 = arith.constant 96 : index
      %get3A_193 = tpu.vector_load %arg7[%get3A_191, %get3A_192] {strides = array<i32>} : memref<128x256xf32, #tpu.memory_space<vmem>>, vector<16xf32>,
      %add3A_194 = arith.constant 96 : i32
      %add3A_195 = arith.addi %add3A_118, %add3A_194 : i32
      %get3A_196 = arith.index_cast %add3A_195 : i32 to index
      %get3A_197 = tpu.vector_load %arg6[%get3A_196] {strides = array<i32>} : memref<36928xf32, #tpu.memory_space<vmem>>, vector<16xf32>,
      %mul3A_198 = arith.mulf %get3A_193, %get3A_197 : vector<16xf32>
      %add3A_199 = arith.addf %add3A_187, %mul3A_198 : vector<16xf32>
      %add3A_200 = arith.addf %add3A_188, %get3A_197 : vector<16xf32>
      %mul3A_201 = arith.mulf %get3A_197, %get3A_197 : vector<16xf32>
      %add3A_202 = arith.addf %add3A_190, %mul3A_201 : vector<16xf32>
      %get3A_203 = arith.index_cast %scan3A_111 : i32 to index
      %get3A_204 = arith.constant 112 : index
      %get3A_205 = tpu.vector_load %arg7[%get3A_203, %get3A_204] {strides = array<i32>} : memref<128x256xf32, #tpu.memory_space<vmem>>, vector<16xf32>,
      %add3A_206 = arith.constant 112 : i32
      %add3A_207 = arith.addi %add3A_118, %add3A_206 : i32
      %get3A_208 = arith.index_cast %add3A_207 : i32 to index
      %get3A_209 = tpu.vector_load %arg6[%get3A_208] {strides = array<i32>} : memref<36928xf32, #tpu.memory_space<vmem>>, vector<16xf32>,
      %mul3A_210 = arith.mulf %get3A_205, %get3A_209 : vector<16xf32>
      %add3A_211 = arith.addf %add3A_199, %mul3A_210 : vector<16xf32>
      %add3A_212 = arith.addf %add3A_200, %get3A_209 : vector<16xf32>
      %mul3A_213 = arith.mulf %get3A_209, %get3A_209 : vector<16xf32>
      %add3A_214 = arith.addf %add3A_202, %mul3A_213 : vector<16xf32>
      %get3A_215 = arith.index_cast %scan3A_111 : i32 to index
      %get3A_216 = arith.constant 128 : index
      %get3A_217 = tpu.vector_load %arg7[%get3A_215, %get3A_216] {strides = array<i32>} : memref<128x256xf32, #tpu.memory_space<vmem>>, vector<16xf32>,
      %add3A_218 = arith.constant 128 : i32
      %add3A_219 = arith.addi %add3A_118, %add3A_218 : i32
      %get3A_220 = arith.index_cast %add3A_219 : i32 to index
      %get3A_221 = tpu.vector_load %arg6[%get3A_220] {strides = array<i32>} : memref<36928xf32, #tpu.memory_space<vmem>>, vector<16xf32>,
      %mul3A_222 = arith.mulf %get3A_217, %get3A_221 : vector<16xf32>
      %add3A_223 = arith.addf %add3A_211, %mul3A_222 : vector<16xf32>
      %add3A_224 = arith.addf %add3A_212, %get3A_221 : vector<16xf32>
      %mul3A_225 = arith.mulf %get3A_221, %get3A_221 : vector<16xf32>
      %add3A_226 = arith.addf %add3A_214, %mul3A_225 : vector<16xf32>
      %get3A_227 = arith.index_cast %scan3A_111 : i32 to index
      %get3A_228 = arith.constant 144 : index
      %get3A_229 = tpu.vector_load %arg7[%get3A_227, %get3A_228] {strides = array<i32>} : memref<128x256xf32, #tpu.memory_space<vmem>>, vector<16xf32>,
      %add3A_230 = arith.constant 144 : i32
      %add3A_231 = arith.addi %add3A_118, %add3A_230 : i32
      %get3A_232 = arith.index_cast %add3A_231 : i32 to index
      %get3A_233 = tpu.vector_load %arg6[%get3A_232] {strides = array<i32>} : memref<36928xf32, #tpu.memory_space<vmem>>, vector<16xf32>,
      %mul3A_234 = arith.mulf %get3A_229, %get3A_233 : vector<16xf32>
      %add3A_235 = arith.addf %add3A_223, %mul3A_234 : vector<16xf32>
      %add3A_236 = arith.addf %add3A_224, %get3A_233 : vector<16xf32>
      %mul3A_237 = arith.mulf %get3A_233, %get3A_233 : vector<16xf32>
      %add3A_238 = arith.addf %add3A_226, %mul3A_237 : vector<16xf32>
      %get3A_239 = arith.index_cast %scan3A_111 : i32 to index
      %get3A_240 = arith.constant 160 : index
      %get3A_241 = tpu.vector_load %arg7[%get3A_239, %get3A_240] {strides = array<i32>} : memref<128x256xf32, #tpu.memory_space<vmem>>, vector<16xf32>,
      %add3A_242 = arith.constant 160 : i32
      %add3A_243 = arith.addi %add3A_118, %add3A_242 : i32
      %get3A_244 = arith.index_cast %add3A_243 : i32 to index
      %get3A_245 = tpu.vector_load %arg6[%get3A_244] {strides = array<i32>} : memref<36928xf32, #tpu.memory_space<vmem>>, vector<16xf32>,
      %mul3A_246 = arith.mulf %get3A_241, %get3A_245 : vector<16xf32>
      %add3A_247 = arith.addf %add3A_235, %mul3A_246 : vector<16xf32>
      %add3A_248 = arith.addf %add3A_236, %get3A_245 : vector<16xf32>
      %mul3A_249 = arith.mulf %get3A_245, %get3A_245 : vector<16xf32>
      %add3A_250 = arith.addf %add3A_238, %mul3A_249 : vector<16xf32>
      %get3A_251 = arith.index_cast %scan3A_111 : i32 to index
      %get3A_252 = arith.constant 176 : index
      %get3A_253 = tpu.vector_load %arg7[%get3A_251, %get3A_252] {strides = array<i32>} : memref<128x256xf32, #tpu.memory_space<vmem>>, vector<16xf32>,
      %add3A_254 = arith.constant 176 : i32
      %add3A_255 = arith.addi %add3A_118, %add3A_254 : i32
      %get3A_256 = arith.index_cast %add3A_255 : i32 to index
      %get3A_257 = tpu.vector_load %arg6[%get3A_256] {strides = array<i32>} : memref<36928xf32, #tpu.memory_space<vmem>>, vector<16xf32>,
      %mul3A_258 = arith.mulf %get3A_253, %get3A_257 : vector<16xf32>
      %add3A_259 = arith.addf %add3A_247, %mul3A_258 : vector<16xf32>
      %add3A_260 = arith.addf %add3A_248, %get3A_257 : vector<16xf32>
      %mul3A_261 = arith.mulf %get3A_257, %get3A_257 : vector<16xf32>
      %add3A_262 = arith.addf %add3A_250, %mul3A_261 : vector<16xf32>
      %get3A_263 = arith.index_cast %scan3A_111 : i32 to index
      %get3A_264 = arith.constant 192 : index
      %get3A_265 = tpu.vector_load %arg7[%get3A_263, %get3A_264] {strides = array<i32>} : memref<128x256xf32, #tpu.memory_space<vmem>>, vector<16xf32>,
      %add3A_266 = arith.constant 192 : i32
      %add3A_267 = arith.addi %add3A_118, %add3A_266 : i32
      %get3A_268 = arith.index_cast %add3A_267 : i32 to index
      %get3A_269 = tpu.vector_load %arg6[%get3A_268] {strides = array<i32>} : memref<36928xf32, #tpu.memory_space<vmem>>, vector<16xf32>,
      %mul3A_270 = arith.mulf %get3A_265, %get3A_269 : vector<16xf32>
      %add3A_271 = arith.addf %add3A_259, %mul3A_270 : vector<16xf32>
      %add3A_272 = arith.addf %add3A_260, %get3A_269 : vector<16xf32>
      %mul3A_273 = arith.mulf %get3A_269, %get3A_269 : vector<16xf32>
      %add3A_274 = arith.addf %add3A_262, %mul3A_273 : vector<16xf32>
      %get3A_275 = arith.index_cast %scan3A_111 : i32 to index
      %get3A_276 = arith.constant 208 : index
      %get3A_277 = tpu.vector_load %arg7[%get3A_275, %get3A_276] {strides = array<i32>} : memref<128x256xf32, #tpu.memory_space<vmem>>, vector<16xf32>,
      %add3A_278 = arith.constant 208 : i32
      %add3A_279 = arith.addi %add3A_118, %add3A_278 : i32
      %get3A_280 = arith.index_cast %add3A_279 : i32 to index
      %get3A_281 = tpu.vector_load %arg6[%get3A_280] {strides = array<i32>} : memref<36928xf32, #tpu.memory_space<vmem>>, vector<16xf32>,
      %mul3A_282 = arith.mulf %get3A_277, %get3A_281 : vector<16xf32>
      %add3A_283 = arith.addf %add3A_271, %mul3A_282 : vector<16xf32>
      %add3A_284 = arith.addf %add3A_272, %get3A_281 : vector<16xf32>
      %mul3A_285 = arith.mulf %get3A_281, %get3A_281 : vector<16xf32>
      %add3A_286 = arith.addf %add3A_274, %mul3A_285 : vector<16xf32>
      %get3A_287 = arith.index_cast %scan3A_111 : i32 to index
      %get3A_288 = arith.constant 224 : index
      %get3A_289 = tpu.vector_load %arg7[%get3A_287, %get3A_288] {strides = array<i32>} : memref<128x256xf32, #tpu.memory_space<vmem>>, vector<16xf32>,
      %add3A_290 = arith.constant 224 : i32
      %add3A_291 = arith.addi %add3A_118, %add3A_290 : i32
      %get3A_292 = arith.index_cast %add3A_291 : i32 to index
      %get3A_293 = tpu.vector_load %arg6[%get3A_292] {strides = array<i32>} : memref<36928xf32, #tpu.memory_space<vmem>>, vector<16xf32>,
      %mul3A_294 = arith.mulf %get3A_289, %get3A_293 : vector<16xf32>
      %add3A_295 = arith.addf %add3A_283, %mul3A_294 : vector<16xf32>
      %add3A_296 = arith.addf %add3A_284, %get3A_293 : vector<16xf32>
      %mul3A_297 = arith.mulf %get3A_293, %get3A_293 : vector<16xf32>
      %add3A_298 = arith.addf %add3A_286, %mul3A_297 : vector<16xf32>
      %get3A_299 = arith.index_cast %scan3A_111 : i32 to index
      %get3A_300 = arith.constant 240 : index
      %get3A_301 = tpu.vector_load %arg7[%get3A_299, %get3A_300] {strides = array<i32>} : memref<128x256xf32, #tpu.memory_space<vmem>>, vector<16xf32>,
      %add3A_302 = arith.constant 240 : i32
      %add3A_303 = arith.addi %add3A_118, %add3A_302 : i32
      %get3A_304 = arith.index_cast %add3A_303 : i32 to index
      %get3A_305 = tpu.vector_load %arg6[%get3A_304] {strides = array<i32>} : memref<36928xf32, #tpu.memory_space<vmem>>, vector<16xf32>,
      %mul3A_306 = arith.mulf %get3A_301, %get3A_305 : vector<16xf32>
      %add3A_307 = arith.addf %add3A_295, %mul3A_306 : vector<16xf32>
      %add3A_308 = arith.addf %add3A_296, %get3A_305 : vector<16xf32>
      %mul3A_309 = arith.mulf %get3A_305, %get3A_305 : vector<16xf32>
      %add3A_310 = arith.addf %add3A_298, %mul3A_309 : vector<16xf32>
      %scan3A_311 = arith.constant 1 : i32
      %scan3A_312 = arith.addi %scan3A_111, %scan3A_311 : i32
      %mul3A_313 = arith.constant 260 : i32
      %mul3A_314 = arith.muli %scan3A_312, %mul3A_313 : i32
      %add3A_315 = arith.constant 1822 : i32
      %add3A_316 = arith.addi %add3A_315, %mul3A_314 : i32
      %get3A_317 = arith.index_cast %scan3A_312 : i32 to index
      %get3A_318 = arith.constant 0 : index
      %get3A_319 = tpu.vector_load %arg7[%get3A_317, %get3A_318] {strides = array<i32>} : memref<128x256xf32, #tpu.memory_space<vmem>>, vector<16xf32>,
      %add3A_320 = arith.constant 0 : i32
      %add3A_321 = arith.addi %add3A_316, %add3A_320 : i32
      %get3A_322 = arith.index_cast %add3A_321 : i32 to index
      %get3A_323 = tpu.vector_load %arg6[%get3A_322] {strides = array<i32>} : memref<36928xf32, #tpu.memory_space<vmem>>, vector<16xf32>,
      %mul3A_324 = arith.mulf %get3A_319, %get3A_323 : vector<16xf32>
      %add3A_325 = arith.addf %add3A_307, %mul3A_324 : vector<16xf32>
      %add3A_326 = arith.addf %add3A_308, %get3A_323 : vector<16xf32>
      %mul3A_327 = arith.mulf %get3A_323, %get3A_323 : vector<16xf32>
      %add3A_328 = arith.addf %add3A_310, %mul3A_327 : vector<16xf32>
      %get3A_329 = arith.index_cast %scan3A_312 : i32 to index
      %get3A_330 = arith.constant 16 : index
      %get3A_331 = tpu.vector_load %arg7[%get3A_329, %get3A_330] {strides = array<i32>} : memref<128x256xf32, #tpu.memory_space<vmem>>, vector<16xf32>,
      %add3A_332 = arith.constant 16 : i32
      %add3A_333 = arith.addi %add3A_316, %add3A_332 : i32
      %get3A_334 = arith.index_cast %add3A_333 : i32 to index
      %get3A_335 = tpu.vector_load %arg6[%get3A_334] {strides = array<i32>} : memref<36928xf32, #tpu.memory_space<vmem>>, vector<16xf32>,
      %mul3A_336 = arith.mulf %get3A_331, %get3A_335 : vector<16xf32>
      %add3A_337 = arith.addf %add3A_325, %mul3A_336 : vector<16xf32>
      %add3A_338 = arith.addf %add3A_326, %get3A_335 : vector<16xf32>
      %mul3A_339 = arith.mulf %get3A_335, %get3A_335 : vector<16xf32>
      %add3A_340 = arith.addf %add3A_328, %mul3A_339 : vector<16xf32>
      %get3A_341 = arith.index_cast %scan3A_312 : i32 to index
      %get3A_342 = arith.constant 32 : index
      %get3A_343 = tpu.vector_load %arg7[%get3A_341, %get3A_342] {strides = array<i32>} : memref<128x256xf32, #tpu.memory_space<vmem>>, vector<16xf32>,
      %add3A_344 = arith.constant 32 : i32
      %add3A_345 = arith.addi %add3A_316, %add3A_344 : i32
      %get3A_346 = arith.index_cast %add3A_345 : i32 to index
      %get3A_347 = tpu.vector_load %arg6[%get3A_346] {strides = array<i32>} : memref<36928xf32, #tpu.memory_space<vmem>>, vector<16xf32>,
      %mul3A_348 = arith.mulf %get3A_343, %get3A_347 : vector<16xf32>
      %add3A_349 = arith.addf %add3A_337, %mul3A_348 : vector<16xf32>
      %add3A_350 = arith.addf %add3A_338, %get3A_347 : vector<16xf32>
      %mul3A_351 = arith.mulf %get3A_347, %get3A_347 : vector<16xf32>
      %add3A_352 = arith.addf %add3A_340, %mul3A_351 : vector<16xf32>
      %get3A_353 = arith.index_cast %scan3A_312 : i32 to index
      %get3A_354 = arith.constant 48 : index
      %get3A_355 = tpu.vector_load %arg7[%get3A_353, %get3A_354] {strides = array<i32>} : memref<128x256xf32, #tpu.memory_space<vmem>>, vector<16xf32>,
      %add3A_356 = arith.constant 48 : i32
      %add3A_357 = arith.addi %add3A_316, %add3A_356 : i32
      %get3A_358 = arith.index_cast %add3A_357 : i32 to index
      %get3A_359 = tpu.vector_load %arg6[%get3A_358] {strides = array<i32>} : memref<36928xf32, #tpu.memory_space<vmem>>, vector<16xf32>,
      %mul3A_360 = arith.mulf %get3A_355, %get3A_359 : vector<16xf32>
      %add3A_361 = arith.addf %add3A_349, %mul3A_360 : vector<16xf32>
      %add3A_362 = arith.addf %add3A_350, %get3A_359 : vector<16xf32>
      %mul3A_363 = arith.mulf %get3A_359, %get3A_359 : vector<16xf32>
      %add3A_364 = arith.addf %add3A_352, %mul3A_363 : vector<16xf32>
      %get3A_365 = arith.index_cast %scan3A_312 : i32 to index
      %get3A_366 = arith.constant 64 : index
      %get3A_367 = tpu.vector_load %arg7[%get3A_365, %get3A_366] {strides = array<i32>} : memref<128x256xf32, #tpu.memory_space<vmem>>, vector<16xf32>,
      %add3A_368 = arith.constant 64 : i32
      %add3A_369 = arith.addi %add3A_316, %add3A_368 : i32
      %get3A_370 = arith.index_cast %add3A_369 : i32 to index
      %get3A_371 = tpu.vector_load %arg6[%get3A_370] {strides = array<i32>} : memref<36928xf32, #tpu.memory_space<vmem>>, vector<16xf32>,
      %mul3A_372 = arith.mulf %get3A_367, %get3A_371 : vector<16xf32>
      %add3A_373 = arith.addf %add3A_361, %mul3A_372 : vector<16xf32>
      %add3A_374 = arith.addf %add3A_362, %get3A_371 : vector<16xf32>
      %mul3A_375 = arith.mulf %get3A_371, %get3A_371 : vector<16xf32>
      %add3A_376 = arith.addf %add3A_364, %mul3A_375 : vector<16xf32>
      %get3A_377 = arith.index_cast %scan3A_312 : i32 to index
      %get3A_378 = arith.constant 80 : index
      %get3A_379 = tpu.vector_load %arg7[%get3A_377, %get3A_378] {strides = array<i32>} : memref<128x256xf32, #tpu.memory_space<vmem>>, vector<16xf32>,
      %add3A_380 = arith.constant 80 : i32
      %add3A_381 = arith.addi %add3A_316, %add3A_380 : i32
      %get3A_382 = arith.index_cast %add3A_381 : i32 to index
      %get3A_383 = tpu.vector_load %arg6[%get3A_382] {strides = array<i32>} : memref<36928xf32, #tpu.memory_space<vmem>>, vector<16xf32>,
      %mul3A_384 = arith.mulf %get3A_379, %get3A_383 : vector<16xf32>
      %add3A_385 = arith.addf %add3A_373, %mul3A_384 : vector<16xf32>
      %add3A_386 = arith.addf %add3A_374, %get3A_383 : vector<16xf32>
      %mul3A_387 = arith.mulf %get3A_383, %get3A_383 : vector<16xf32>
      %add3A_388 = arith.addf %add3A_376, %mul3A_387 : vector<16xf32>
      %get3A_389 = arith.index_cast %scan3A_312 : i32 to index
      %get3A_390 = arith.constant 96 : index
      %get3A_391 = tpu.vector_load %arg7[%get3A_389, %get3A_390] {strides = array<i32>} : memref<128x256xf32, #tpu.memory_space<vmem>>, vector<16xf32>,
      %add3A_392 = arith.constant 96 : i32
      %add3A_393 = arith.addi %add3A_316, %add3A_392 : i32
      %get3A_394 = arith.index_cast %add3A_393 : i32 to index
      %get3A_395 = tpu.vector_load %arg6[%get3A_394] {strides = array<i32>} : memref<36928xf32, #tpu.memory_space<vmem>>, vector<16xf32>,
      %mul3A_396 = arith.mulf %get3A_391, %get3A_395 : vector<16xf32>
      %add3A_397 = arith.addf %add3A_385, %mul3A_396 : vector<16xf32>
      %add3A_398 = arith.addf %add3A_386, %get3A_395 : vector<16xf32>
      %mul3A_399 = arith.mulf %get3A_395, %get3A_395 : vector<16xf32>
      %add3A_400 = arith.addf %add3A_388, %mul3A_399 : vector<16xf32>
      %get3A_401 = arith.index_cast %scan3A_312 : i32 to index
      %get3A_402 = arith.constant 112 : index
      %get3A_403 = tpu.vector_load %arg7[%get3A_401, %get3A_402] {strides = array<i32>} : memref<128x256xf32, #tpu.memory_space<vmem>>, vector<16xf32>,
      %add3A_404 = arith.constant 112 : i32
      %add3A_405 = arith.addi %add3A_316, %add3A_404 : i32
      %get3A_406 = arith.index_cast %add3A_405 : i32 to index
      %get3A_407 = tpu.vector_load %arg6[%get3A_406] {strides = array<i32>} : memref<36928xf32, #tpu.memory_space<vmem>>, vector<16xf32>,
      %mul3A_408 = arith.mulf %get3A_403, %get3A_407 : vector<16xf32>
      %add3A_409 = arith.addf %add3A_397, %mul3A_408 : vector<16xf32>
      %add3A_410 = arith.addf %add3A_398, %get3A_407 : vector<16xf32>
      %mul3A_411 = arith.mulf %get3A_407, %get3A_407 : vector<16xf32>
      %add3A_412 = arith.addf %add3A_400, %mul3A_411 : vector<16xf32>
      %get3A_413 = arith.index_cast %scan3A_312 : i32 to index
      %get3A_414 = arith.constant 128 : index
      %get3A_415 = tpu.vector_load %arg7[%get3A_413, %get3A_414] {strides = array<i32>} : memref<128x256xf32, #tpu.memory_space<vmem>>, vector<16xf32>,
      %add3A_416 = arith.constant 128 : i32
      %add3A_417 = arith.addi %add3A_316, %add3A_416 : i32
      %get3A_418 = arith.index_cast %add3A_417 : i32 to index
      %get3A_419 = tpu.vector_load %arg6[%get3A_418] {strides = array<i32>} : memref<36928xf32, #tpu.memory_space<vmem>>, vector<16xf32>,
      %mul3A_420 = arith.mulf %get3A_415, %get3A_419 : vector<16xf32>
      %add3A_421 = arith.addf %add3A_409, %mul3A_420 : vector<16xf32>
      %add3A_422 = arith.addf %add3A_410, %get3A_419 : vector<16xf32>
      %mul3A_423 = arith.mulf %get3A_419, %get3A_419 : vector<16xf32>
      %add3A_424 = arith.addf %add3A_412, %mul3A_423 : vector<16xf32>
      %get3A_425 = arith.index_cast %scan3A_312 : i32 to index
      %get3A_426 = arith.constant 144 : index
      %get3A_427 = tpu.vector_load %arg7[%get3A_425, %get3A_426] {strides = array<i32>} : memref<128x256xf32, #tpu.memory_space<vmem>>, vector<16xf32>,
      %add3A_428 = arith.constant 144 : i32
      %add3A_429 = arith.addi %add3A_316, %add3A_428 : i32
      %get3A_430 = arith.index_cast %add3A_429 : i32 to index
      %get3A_431 = tpu.vector_load %arg6[%get3A_430] {strides = array<i32>} : memref<36928xf32, #tpu.memory_space<vmem>>, vector<16xf32>,
      %mul3A_432 = arith.mulf %get3A_427, %get3A_431 : vector<16xf32>
      %add3A_433 = arith.addf %add3A_421, %mul3A_432 : vector<16xf32>
      %add3A_434 = arith.addf %add3A_422, %get3A_431 : vector<16xf32>
      %mul3A_435 = arith.mulf %get3A_431, %get3A_431 : vector<16xf32>
      %add3A_436 = arith.addf %add3A_424, %mul3A_435 : vector<16xf32>
      %get3A_437 = arith.index_cast %scan3A_312 : i32 to index
      %get3A_438 = arith.constant 160 : index
      %get3A_439 = tpu.vector_load %arg7[%get3A_437, %get3A_438] {strides = array<i32>} : memref<128x256xf32, #tpu.memory_space<vmem>>, vector<16xf32>,
      %add3A_440 = arith.constant 160 : i32
      %add3A_441 = arith.addi %add3A_316, %add3A_440 : i32
      %get3A_442 = arith.index_cast %add3A_441 : i32 to index
      %get3A_443 = tpu.vector_load %arg6[%get3A_442] {strides = array<i32>} : memref<36928xf32, #tpu.memory_space<vmem>>, vector<16xf32>,
      %mul3A_444 = arith.mulf %get3A_439, %get3A_443 : vector<16xf32>
      %add3A_445 = arith.addf %add3A_433, %mul3A_444 : vector<16xf32>
      %add3A_446 = arith.addf %add3A_434, %get3A_443 : vector<16xf32>
      %mul3A_447 = arith.mulf %get3A_443, %get3A_443 : vector<16xf32>
      %add3A_448 = arith.addf %add3A_436, %mul3A_447 : vector<16xf32>
      %get3A_449 = arith.index_cast %scan3A_312 : i32 to index
      %get3A_450 = arith.constant 176 : index
      %get3A_451 = tpu.vector_load %arg7[%get3A_449, %get3A_450] {strides = array<i32>} : memref<128x256xf32, #tpu.memory_space<vmem>>, vector<16xf32>,
      %add3A_452 = arith.constant 176 : i32
      %add3A_453 = arith.addi %add3A_316, %add3A_452 : i32
      %get3A_454 = arith.index_cast %add3A_453 : i32 to index
      %get3A_455 = tpu.vector_load %arg6[%get3A_454] {strides = array<i32>} : memref<36928xf32, #tpu.memory_space<vmem>>, vector<16xf32>,
      %mul3A_456 = arith.mulf %get3A_451, %get3A_455 : vector<16xf32>
      %add3A_457 = arith.addf %add3A_445, %mul3A_456 : vector<16xf32>
      %add3A_458 = arith.addf %add3A_446, %get3A_455 : vector<16xf32>
      %mul3A_459 = arith.mulf %get3A_455, %get3A_455 : vector<16xf32>
      %add3A_460 = arith.addf %add3A_448, %mul3A_459 : vector<16xf32>
      %get3A_461 = arith.index_cast %scan3A_312 : i32 to index
      %get3A_462 = arith.constant 192 : index
      %get3A_463 = tpu.vector_load %arg7[%get3A_461, %get3A_462] {strides = array<i32>} : memref<128x256xf32, #tpu.memory_space<vmem>>, vector<16xf32>,
      %add3A_464 = arith.constant 192 : i32
      %add3A_465 = arith.addi %add3A_316, %add3A_464 : i32
      %get3A_466 = arith.index_cast %add3A_465 : i32 to index
      %get3A_467 = tpu.vector_load %arg6[%get3A_466] {strides = array<i32>} : memref<36928xf32, #tpu.memory_space<vmem>>, vector<16xf32>,
      %mul3A_468 = arith.mulf %get3A_463, %get3A_467 : vector<16xf32>
      %add3A_469 = arith.addf %add3A_457, %mul3A_468 : vector<16xf32>
      %add3A_470 = arith.addf %add3A_458, %get3A_467 : vector<16xf32>
      %mul3A_471 = arith.mulf %get3A_467, %get3A_467 : vector<16xf32>
      %add3A_472 = arith.addf %add3A_460, %mul3A_471 : vector<16xf32>
      %get3A_473 = arith.index_cast %scan3A_312 : i32 to index
      %get3A_474 = arith.constant 208 : index
      %get3A_475 = tpu.vector_load %arg7[%get3A_473, %get3A_474] {strides = array<i32>} : memref<128x256xf32, #tpu.memory_space<vmem>>, vector<16xf32>,
      %add3A_476 = arith.constant 208 : i32
      %add3A_477 = arith.addi %add3A_316, %add3A_476 : i32
      %get3A_478 = arith.index_cast %add3A_477 : i32 to index
      %get3A_479 = tpu.vector_load %arg6[%get3A_478] {strides = array<i32>} : memref<36928xf32, #tpu.memory_space<vmem>>, vector<16xf32>,
      %mul3A_480 = arith.mulf %get3A_475, %get3A_479 : vector<16xf32>
      %add3A_481 = arith.addf %add3A_469, %mul3A_480 : vector<16xf32>
      %add3A_482 = arith.addf %add3A_470, %get3A_479 : vector<16xf32>
      %mul3A_483 = arith.mulf %get3A_479, %get3A_479 : vector<16xf32>
      %add3A_484 = arith.addf %add3A_472, %mul3A_483 : vector<16xf32>
      %get3A_485 = arith.index_cast %scan3A_312 : i32 to index
      %get3A_486 = arith.constant 224 : index
      %get3A_487 = tpu.vector_load %arg7[%get3A_485, %get3A_486] {strides = array<i32>} : memref<128x256xf32, #tpu.memory_space<vmem>>, vector<16xf32>,
      %add3A_488 = arith.constant 224 : i32
      %add3A_489 = arith.addi %add3A_316, %add3A_488 : i32
      %get3A_490 = arith.index_cast %add3A_489 : i32 to index
      %get3A_491 = tpu.vector_load %arg6[%get3A_490] {strides = array<i32>} : memref<36928xf32, #tpu.memory_space<vmem>>, vector<16xf32>,
      %mul3A_492 = arith.mulf %get3A_487, %get3A_491 : vector<16xf32>
      %add3A_493 = arith.addf %add3A_481, %mul3A_492 : vector<16xf32>
      %add3A_494 = arith.addf %add3A_482, %get3A_491 : vector<16xf32>
      %mul3A_495 = arith.mulf %get3A_491, %get3A_491 : vector<16xf32>
      %add3A_496 = arith.addf %add3A_484, %mul3A_495 : vector<16xf32>
      %get3A_497 = arith.index_cast %scan3A_312 : i32 to index
      %get3A_498 = arith.constant 240 : index
      %get3A_499 = tpu.vector_load %arg7[%get3A_497, %get3A_498] {strides = array<i32>} : memref<128x256xf32, #tpu.memory_space<vmem>>, vector<16xf32>,
      %add3A_500 = arith.constant 240 : i32
      %add3A_501 = arith.addi %add3A_316, %add3A_500 : i32
      %get3A_502 = arith.index_cast %add3A_501 : i32 to index
      %get3A_503 = tpu.vector_load %arg6[%get3A_502] {strides = array<i32>} : memref<36928xf32, #tpu.memory_space<vmem>>, vector<16xf32>,
      %mul3A_504 = arith.mulf %get3A_499, %get3A_503 : vector<16xf32>
      %add3A_505 = arith.addf %add3A_493, %mul3A_504 : vector<16xf32>
      %add3A_506 = arith.addf %add3A_494, %get3A_503 : vector<16xf32>
      %mul3A_507 = arith.mulf %get3A_503, %get3A_503 : vector<16xf32>
      %add3A_508 = arith.addf %add3A_496, %mul3A_507 : vector<16xf32>
      scf.yield %add3A_505, %add3A_506, %add3A_508 : vector<16xf32>, vector<16xf32>, vector<16xf32>
    }
    %scan3A_104 = arith.constant 128 : i32
    %swap3A_105 = arith.constant 0 : index
    %swap3A_106 = tpu.vector_load %arg11[%swap3A_105] {strides = array<i32>} : memref<48xf32, #tpu.memory_space<vmem>>, vector<16xf32>,
    tpu.vector_store %arg11[%swap3A_105], %scan3A_103#0 {strides = array<i32>} : memref<48xf32, #tpu.memory_space<vmem>>, vector<16xf32>,
    %swap3A_107 = arith.constant 16 : index
    %swap3A_108 = tpu.vector_load %arg11[%swap3A_107] {strides = array<i32>} : memref<48xf32, #tpu.memory_space<vmem>>, vector<16xf32>,
    tpu.vector_store %arg11[%swap3A_107], %scan3A_103#1 {strides = array<i32>} : memref<48xf32, #tpu.memory_space<vmem>>, vector<16xf32>,
    %swap3A_109 = arith.constant 32 : index
    %swap3A_110 = tpu.vector_load %arg11[%swap3A_109] {strides = array<i32>} : memref<48xf32, #tpu.memory_space<vmem>>, vector<16xf32>,
    tpu.vector_store %arg11[%swap3A_109], %scan3A_103#2 {strides = array<i32>} : memref<48xf32, #tpu.memory_space<vmem>>, vector<16xf32>,
    "tpu.region"() ({
      %run_scoped3A = tpu.sem_alloc : memref<!tpu.dma_semaphore, #tpu.memory_space<semaphore_mem>>
      %dma_start3A_111 = arith.constant 0 : i32
      %dma_start3A_112 = tpu.memref_slice %arg5[%and3A_2, %shift_right_arithmetic3A_1, %dma_start3A_111] : memref<2x16x48xf32, #tpu.memory_space<hbm>> -> memref<1x1x48xf32, #tpu.memory_space<hbm>>
      %dma_start3A_113 = tpu.memref_squeeze %dma_start3A_112 : memref<1x1x48xf32, #tpu.memory_space<hbm>> -> memref<48xf32, #tpu.memory_space<hbm>>
      %dma_start3A_114 = arith.constant 0 : i32
      %dma_start3A_115 = tpu.memref_slice %arg5[%and3A_2, %shift_right_arithmetic3A_1, %dma_start3A_114] : memref<2x16x48xf32, #tpu.memory_space<hbm>> -> memref<1x1x48xf32, #tpu.memory_space<hbm>>
      %dma_start3A_116 = tpu.memref_squeeze %dma_start3A_115 : memref<1x1x48xf32, #tpu.memory_space<hbm>> -> memref<48xf32, #tpu.memory_space<hbm>>
      tpu.enqueue_dma source(%arg11 : memref<48xf32, #tpu.memory_space<vmem>>) target(%dma_start3A_116 : memref<48xf32, #tpu.memory_space<hbm>>) target_semaphore(%run_scoped3A : memref<!tpu.dma_semaphore, #tpu.memory_space<semaphore_mem>>)
      %dma_wait3A_117 = arith.constant 0 : i32
      %dma_wait3A_118 = tpu.memref_slice %arg5[%and3A_2, %shift_right_arithmetic3A_1, %dma_wait3A_117] : memref<2x16x48xf32, #tpu.memory_space<hbm>> -> memref<1x1x48xf32, #tpu.memory_space<hbm>>
      %dma_wait3A_119 = tpu.memref_squeeze %dma_wait3A_118 : memref<1x1x48xf32, #tpu.memory_space<hbm>> -> memref<48xf32, #tpu.memory_space<hbm>>
      %dma_wait3A_120 = arith.constant 0 : i32
      %dma_wait3A_121 = tpu.memref_slice %arg5[%and3A_2, %shift_right_arithmetic3A_1, %dma_wait3A_120] : memref<2x16x48xf32, #tpu.memory_space<hbm>> -> memref<1x1x48xf32, #tpu.memory_space<hbm>>
      %dma_wait3A_122 = tpu.memref_squeeze %dma_wait3A_121 : memref<1x1x48xf32, #tpu.memory_space<hbm>> -> memref<48xf32, #tpu.memory_space<hbm>>
      tpu.wait_dma2 semaphore(%run_scoped3A : memref<!tpu.dma_semaphore, #tpu.memory_space<semaphore_mem>>) src(%arg11 : memref<48xf32, #tpu.memory_space<vmem>>) dst(%dma_wait3A_122 : memref<48xf32, #tpu.memory_space<hbm>>)
      tpu.yield
    }) : () -> ()
    return
  }
}

module attributes {stable_mosaic.version = 14 : i64} {
  func.func @_tc_sq_body(%arg0: i32, %arg1: memref<8x1x256x256xf32, #tpu.memory_space<vmem>>, %arg2: memref<8x128xf32, #tpu.memory_space<vmem>>) attributes {dimension_semantics = [#tpu.dimension_semantics<arbitrary>], iteration_bounds = array<i64: 2>, scalar_prefetch = 0 : i64, scratch_operands = 0 : i64, tpu.core_type = #tpu.core_type<tc>, window_params = [{transform_indices = @transform_0, window_bounds = array<i64: 8, 1, 256, 256>}, {transform_indices = @transform_1, window_bounds = array<i64: 8, 128>}]} {
    %get3A = arith.constant 0 : index
    %get3A_0 = arith.constant 0 : index
    %get3A_1 = arith.constant 0 : index
    %get3A_2 = arith.constant 0 : index
    %get3A_3 = vector.load %arg1[%get3A, %get3A_0, %get3A_1, %get3A_2] : memref<8x1x256x256xf32, #tpu.memory_space<vmem>>, vector<8x1x256x256xf32>
    %get3A_4 = vector.shape_cast %get3A_3 : vector<8x1x256x256xf32> to vector<8x256x256xf32>
    %reduce_sum3A = arith.constant dense<0.000000e+00> : vector<8xf32>
    %reduce_sum3A_5 = vector.multi_reduction <add>, %get3A_4, %reduce_sum3A [1, 2] : vector<8x256x256xf32> to vector<8xf32>
    %mul3A = arith.mulf %get3A_4, %get3A_4 : vector<8x256x256xf32>
    %reduce_sum3A_6 = arith.constant dense<0.000000e+00> : vector<8xf32>
    %reduce_sum3A_7 = vector.multi_reduction <add>, %mul3A, %reduce_sum3A_6 [1, 2] : vector<8x256x256xf32> to vector<8xf32>
    %iota3A = tpu.iota {dimensions = array<i32: 1>} : vector<8x128xi32>
    %eq3A = arith.constant 0 : i32
    %eq3A_8 = vector.broadcast %eq3A : i32 to vector<8x128xi32>
    %eq3A_9 = arith.cmpi eq, %iota3A, %eq3A_8 : vector<8x128xi32>
    %broadcast_in_dim3A = vector.shape_cast %reduce_sum3A_5 : vector<8xf32> to vector<8x1xf32>
    %eq3A_10 = arith.constant 1 : i32
    %eq3A_11 = vector.broadcast %eq3A_10 : i32 to vector<8x128xi32>
    %eq3A_12 = arith.cmpi eq, %iota3A, %eq3A_11 : vector<8x128xi32>
    %broadcast_in_dim3A_13 = vector.shape_cast %reduce_sum3A_7 : vector<8xf32> to vector<8x1xf32>
    %jit3A = arith.constant 0.000000e+00 : f32
    %broadcast_in_dim3A_14 = vector.shape_cast %broadcast_in_dim3A_13 : vector<8x1xf32> to vector<8x1xf32>
    %broadcast_in_dim3A_15 = vector.broadcast %broadcast_in_dim3A_14 : vector<8x1xf32> to vector<8x128xf32>
    %broadcast_in_dim3A_16 = vector.broadcast %jit3A : f32 to vector<8x128xf32>
    %select_n3A = arith.select %eq3A_12, %broadcast_in_dim3A_15, %broadcast_in_dim3A_16 : vector<8x128xi1>, vector<8x128xf32>
    %broadcast_in_dim3A_17 = vector.shape_cast %broadcast_in_dim3A : vector<8x1xf32> to vector<8x1xf32>
    %broadcast_in_dim3A_18 = vector.broadcast %broadcast_in_dim3A_17 : vector<8x1xf32> to vector<8x128xf32>
    %select_n3A_19 = arith.select %eq3A_9, %broadcast_in_dim3A_18, %select_n3A : vector<8x128xi1>, vector<8x128xf32>
    %swap3A = arith.constant 0 : index
    %swap3A_20 = arith.constant 0 : index
    %swap3A_21 = vector.load %arg2[%swap3A, %swap3A_20] : memref<8x128xf32, #tpu.memory_space<vmem>>, vector<8x128xf32>
    tpu.vector_store %arg2[%swap3A, %swap3A_20], %select_n3A_19 {strides = array<i32>} : memref<8x128xf32, #tpu.memory_space<vmem>>, vector<8x128xf32>,
    return
  }
  func.func @transform_0(%arg0: i32) -> (i32, i32, i32, i32) {
    %c0_i32 = arith.constant 0 : i32
    %c0_i32_0 = arith.constant 0 : i32
    %c0_i32_1 = arith.constant 0 : i32
    %c0_i32_2 = arith.constant 0 : i32
    return %arg0, %c0_i32, %c0_i32_0, %c0_i32_1 : i32, i32, i32, i32
  }
  func.func @transform_1(%arg0: i32) -> (i32, i32) {
    %c0_i32 = arith.constant 0 : i32
    %c0_i32_0 = arith.constant 0 : i32
    return %arg0, %c0_i32 : i32, i32
  }
}

module attributes {stable_mosaic.version = 14 : i64} {
  func.func @_tc_fin_body(%arg0: memref<2x16x48xf32, #tpu.memory_space<vmem>>, %arg1: memref<16x128xf32, #tpu.memory_space<vmem>>, %arg2: memref<1x1xf32, #tpu.memory_space<vmem>>, %arg3: memref<1x1xf32, #tpu.memory_space<vmem>>, %arg4: memref<1x1xf32, #tpu.memory_space<vmem>>, %arg5: memref<1x1xf32, #tpu.memory_space<vmem>>, %arg6: memref<1x1xf32, #tpu.memory_space<vmem>>, %arg7: memref<1x1xf32, #tpu.memory_space<vmem>>) attributes {dimension_semantics = [], scalar_prefetch = 0 : i64, scratch_operands = 0 : i64, tpu.core_type = #tpu.core_type<tc>} {
    %get3A = arith.constant 0 : index
    %get3A_0 = arith.constant 0 : index
    %get3A_1 = arith.constant 0 : index
    %get3A_2 = vector.load %arg0[%get3A, %get3A_0, %get3A_1] : memref<2x16x48xf32, #tpu.memory_space<vmem>>, vector<1x16x48xf32>
    %get3A_3 = vector.shape_cast %get3A_2 : vector<1x16x48xf32> to vector<16x48xf32>
    %get3A_4 = arith.constant 1 : index
    %get3A_5 = arith.constant 0 : index
    %get3A_6 = arith.constant 0 : index
    %get3A_7 = vector.load %arg0[%get3A_4, %get3A_5, %get3A_6] : memref<2x16x48xf32, #tpu.memory_space<vmem>>, vector<1x16x48xf32>
    %get3A_8 = vector.shape_cast %get3A_7 : vector<1x16x48xf32> to vector<16x48xf32>
    %add3A = arith.addf %get3A_3, %get3A_8 : vector<16x48xf32>
    %slice3A = vector.extract_strided_slice %add3A {offsets = [0, 0], sizes = [16, 16], strides = [1, 1]} : vector<16x48xf32> to vector<16x16xf32>
    %reduce_sum3A = arith.constant dense<0.000000e+00> : vector<16xf32>
    %reduce_sum3A_9 = vector.multi_reduction <add>, %slice3A, %reduce_sum3A [1] : vector<16x16xf32> to vector<16xf32>
    %broadcast_in_dim3A = vector.shape_cast %reduce_sum3A_9 : vector<16xf32> to vector<16x1xf32>
    %slice3A_10 = vector.extract_strided_slice %add3A {offsets = [0, 16], sizes = [16, 16], strides = [1, 1]} : vector<16x48xf32> to vector<16x16xf32>
    %reduce_sum3A_11 = arith.constant dense<0.000000e+00> : vector<16xf32>
    %reduce_sum3A_12 = vector.multi_reduction <add>, %slice3A_10, %reduce_sum3A_11 [1] : vector<16x16xf32> to vector<16xf32>
    %broadcast_in_dim3A_13 = vector.shape_cast %reduce_sum3A_12 : vector<16xf32> to vector<16x1xf32>
    %slice3A_14 = vector.extract_strided_slice %add3A {offsets = [0, 32], sizes = [16, 16], strides = [1, 1]} : vector<16x48xf32> to vector<16x16xf32>
    %reduce_sum3A_15 = arith.constant dense<0.000000e+00> : vector<16xf32>
    %reduce_sum3A_16 = vector.multi_reduction <add>, %slice3A_14, %reduce_sum3A_15 [1] : vector<16x16xf32> to vector<16xf32>
    %broadcast_in_dim3A_17 = vector.shape_cast %reduce_sum3A_16 : vector<16xf32> to vector<16x1xf32>
    %get3A_18 = arith.constant 0 : index
    %get3A_19 = arith.constant 0 : index
    %get3A_20 = vector.load %arg1[%get3A_18, %get3A_19] : memref<16x128xf32, #tpu.memory_space<vmem>>, vector<16x128xf32>
    %slice3A_21 = vector.extract_strided_slice %get3A_20 {offsets = [0, 0], sizes = [16, 1], strides = [1, 1]} : vector<16x128xf32> to vector<16x1xf32>
    %slice3A_22 = vector.extract_strided_slice %get3A_20 {offsets = [0, 1], sizes = [16, 1], strides = [1, 1]} : vector<16x128xf32> to vector<16x1xf32>
    %add3A_23 = arith.constant 9.99999993E-9 : f32
    %add3A_24 = vector.broadcast %add3A_23 : f32 to vector<16x1xf32>
    %add3A_25 = arith.addf %slice3A_21, %add3A_24 : vector<16x1xf32>
    %gt3A = arith.constant 0.000000e+00 : f32
    %gt3A_26 = vector.broadcast %gt3A : f32 to vector<16x1xf32>
    %gt3A_27 = arith.cmpf ogt, %broadcast_in_dim3A_13, %gt3A_26 : vector<16x1xf32>
    %jit3A = arith.constant 1.000000e+00 : f32
    %broadcast_in_dim3A_28 = vector.broadcast %jit3A : f32 to vector<16x1xf32>
    %select_n3A = arith.select %gt3A_27, %broadcast_in_dim3A_13, %broadcast_in_dim3A_28 : vector<16x1xi1>, vector<16x1xf32>
    %mul3A = arith.mulf %add3A_25, %add3A_25 : vector<16x1xf32>
    %div3A = arith.divf %slice3A_22, %mul3A : vector<16x1xf32>
    %mul3A_29 = arith.constant 2.000000e+00 : f32
    %mul3A_30 = vector.broadcast %mul3A_29 : f32 to vector<16x1xf32>
    %mul3A_31 = arith.mulf %mul3A_30, %broadcast_in_dim3A : vector<16x1xf32>
    %mul3A_32 = arith.mulf %add3A_25, %select_n3A : vector<16x1xf32>
    %div3A_33 = arith.divf %mul3A_31, %mul3A_32 : vector<16x1xf32>
    %sub3A = arith.subf %div3A, %div3A_33 : vector<16x1xf32>
    %mul3A_34 = arith.mulf %select_n3A, %select_n3A : vector<16x1xf32>
    %div3A_35 = arith.divf %broadcast_in_dim3A_17, %mul3A_34 : vector<16x1xf32>
    %add3A_36 = arith.addf %sub3A, %div3A_35 : vector<16x1xf32>
    %mul3A_37 = arith.constant 1.52587891E-5 : f32
    %mul3A_38 = vector.broadcast %mul3A_37 : f32 to vector<16x1xf32>
    %mul3A_39 = arith.mulf %add3A_36, %mul3A_38 : vector<16x1xf32>
    %gt3A_40 = arith.constant 0.000000e+00 : f32
    %gt3A_41 = vector.broadcast %gt3A_40 : f32 to vector<16x1xf32>
    %gt3A_42 = arith.cmpf ogt, %broadcast_in_dim3A_13, %gt3A_41 : vector<16x1xf32>
    %jit3A_43 = arith.constant 0.000000e+00 : f32
    %broadcast_in_dim3A_44 = vector.broadcast %jit3A_43 : f32 to vector<16x1xf32>
    %select_n3A_45 = arith.select %gt3A_42, %mul3A_39, %broadcast_in_dim3A_44 : vector<16x1xi1>, vector<16x1xf32>
    %reduce_sum3A_46 = arith.constant dense<0.000000e+00> : vector<1xf32>
    %reduce_sum3A_47 = vector.multi_reduction <add>, %select_n3A_45, %reduce_sum3A_46 [0] : vector<16x1xf32> to vector<1xf32>
    %broadcast_in_dim3A_48 = vector.shape_cast %reduce_sum3A_47 : vector<1xf32> to vector<1x1xf32>
    %mul3A_49 = arith.constant 6.250000e-02 : f32
    %mul3A_50 = vector.broadcast %mul3A_49 : f32 to vector<1x1xf32>
    %mul3A_51 = arith.mulf %broadcast_in_dim3A_48, %mul3A_50 : vector<1x1xf32>
    %get3A_52 = arith.constant 0 : index
    %get3A_53 = arith.constant 0 : index
    %get3A_54 = vector.load %arg2[%get3A_52, %get3A_53] : memref<1x1xf32, #tpu.memory_space<vmem>>, vector<1x1xf32>
    %div3A_55 = vector.broadcast %get3A_54 : vector<1x1xf32> to vector<16x1xf32>
    %div3A_56 = arith.divf %slice3A_21, %div3A_55 : vector<16x1xf32>
    %sub3A_57 = arith.constant 5.120000e+02 : f32
    %sub3A_58 = vector.broadcast %sub3A_57 : f32 to vector<16x1xf32>
    %sub3A_59 = arith.subf %div3A_56, %sub3A_58 : vector<16x1xf32>
    %abs3A = math.absf %sub3A_59 : vector<16x1xf32>
    %reduce_sum3A_60 = arith.constant dense<0.000000e+00> : vector<1xf32>
    %reduce_sum3A_61 = vector.multi_reduction <add>, %abs3A, %reduce_sum3A_60 [0] : vector<16x1xf32> to vector<1xf32>
    %broadcast_in_dim3A_62 = vector.shape_cast %reduce_sum3A_61 : vector<1xf32> to vector<1x1xf32>
    %mul3A_63 = arith.constant 6.250000e-02 : f32
    %mul3A_64 = vector.broadcast %mul3A_63 : f32 to vector<1x1xf32>
    %mul3A_65 = arith.mulf %broadcast_in_dim3A_62, %mul3A_64 : vector<1x1xf32>
    %get3A_66 = arith.constant 0 : index
    %get3A_67 = arith.constant 0 : index
    %get3A_68 = vector.load %arg3[%get3A_66, %get3A_67] : memref<1x1xf32, #tpu.memory_space<vmem>>, vector<1x1xf32>
    %exp3A = math.exp %get3A_68 : vector<1x1xf32>
    %sub3A_69 = arith.constant 8.000000e+00 : f32
    %sub3A_70 = vector.broadcast %sub3A_69 : f32 to vector<1x1xf32>
    %sub3A_71 = arith.subf %sub3A_70, %exp3A : vector<1x1xf32>
    %max3A = arith.constant 0.000000e+00 : f32
    %max3A_72 = vector.broadcast %max3A : f32 to vector<1x1xf32>
    %max3A_73 = arith.maximumf %sub3A_71, %max3A_72 : vector<1x1xf32>
    %sub3A_74 = arith.constant 6.400000e+01 : f32
    %sub3A_75 = vector.broadcast %sub3A_74 : f32 to vector<1x1xf32>
    %sub3A_76 = arith.subf %exp3A, %sub3A_75 : vector<1x1xf32>
    %max3A_77 = arith.constant 0.000000e+00 : f32
    %max3A_78 = vector.broadcast %max3A_77 : f32 to vector<1x1xf32>
    %max3A_79 = arith.maximumf %sub3A_76, %max3A_78 : vector<1x1xf32>
    %add3A_80 = arith.addf %max3A_73, %max3A_79 : vector<1x1xf32>
    %mul3A_81 = arith.constant 2.000000e+00 : f32
    %mul3A_82 = vector.broadcast %mul3A_81 : f32 to vector<1x1xf32>
    %mul3A_83 = arith.mulf %mul3A_82, %mul3A_65 : vector<1x1xf32>
    %mul3A_84 = arith.constant 1.500000e-01 : f32
    %mul3A_85 = vector.broadcast %mul3A_84 : f32 to vector<1x1xf32>
    %mul3A_86 = arith.mulf %mul3A_85, %mul3A_51 : vector<1x1xf32>
    %add3A_87 = arith.addf %mul3A_83, %mul3A_86 : vector<1x1xf32>
    %mul3A_88 = arith.constant 5.000000e-01 : f32
    %mul3A_89 = vector.broadcast %mul3A_88 : f32 to vector<1x1xf32>
    %mul3A_90 = arith.mulf %mul3A_89, %add3A_80 : vector<1x1xf32>
    %add3A_91 = arith.addf %add3A_87, %mul3A_90 : vector<1x1xf32>
    %swap3A = arith.constant 0 : index
    %swap3A_92 = arith.constant 0 : index
    %swap3A_93 = vector.load %arg4[%swap3A, %swap3A_92] : memref<1x1xf32, #tpu.memory_space<vmem>>, vector<1x1xf32>
    tpu.vector_store %arg4[%swap3A, %swap3A_92], %add3A_91 {strides = array<i32>} : memref<1x1xf32, #tpu.memory_space<vmem>>, vector<1x1xf32>,
    %swap3A_94 = arith.constant 0 : index
    %swap3A_95 = arith.constant 0 : index
    %swap3A_96 = vector.load %arg5[%swap3A_94, %swap3A_95] : memref<1x1xf32, #tpu.memory_space<vmem>>, vector<1x1xf32>
    tpu.vector_store %arg5[%swap3A_94, %swap3A_95], %mul3A_65 {strides = array<i32>} : memref<1x1xf32, #tpu.memory_space<vmem>>, vector<1x1xf32>,
    %swap3A_97 = arith.constant 0 : index
    %swap3A_98 = arith.constant 0 : index
    %swap3A_99 = vector.load %arg6[%swap3A_97, %swap3A_98] : memref<1x1xf32, #tpu.memory_space<vmem>>, vector<1x1xf32>
    tpu.vector_store %arg6[%swap3A_97, %swap3A_98], %mul3A_51 {strides = array<i32>} : memref<1x1xf32, #tpu.memory_space<vmem>>, vector<1x1xf32>,
    %swap3A_100 = arith.constant 0 : index
    %swap3A_101 = arith.constant 0 : index
    %swap3A_102 = vector.load %arg7[%swap3A_100, %swap3A_101] : memref<1x1xf32, #tpu.memory_space<vmem>>, vector<1x1xf32>
    tpu.vector_store %arg7[%swap3A_100, %swap3A_101], %add3A_80 {strides = array<i32>} : memref<1x1xf32, #tpu.memory_space<vmem>>, vector<1x1xf32>,
    return
  }
}

</mosaic_0001>

<sc_bundles>
// kernel: kernel.5.cloned.1.call-start
scs
__scs_entry_jumppad:
0x0: {  	(pc) =	sbr.rel $0x88, $3  }
0x1: {  	(tag) =	ssettag $0x0;
	lr =	simm.s32 $0x1  }
0x2: {  	[smem:$0x3F9D] =	sst lr;
	_ =	strace $0xD0000000  }
0x3: {  	_ = 	snop  }
0x4: {  	_ = 	snop  }
0x5: {  	_ = 	snop  }
0x6: {  	_ = 	snop  }
0x7: {  	_ = 	snop  }
__scs_overlays_trampoline_lowered:
0x8: {  	[smem:$0x3FAC] =	sst s0  }
0x9: {  	[smem:$0x3FAD] =	sst s1  }
0xa: {  	[smem:$0x3FAE] =	sst s2  }
0xb: {  	[smem:$0x3FAF] =	sst s3  }
0xc: {  	[smem:$0x3FB0] =	sst s4  }
0xd: {  	[smem:$0x3FB1] =	sst s5  }
0xe: {  	[smem:$0x3FB2] =	sst s6  }
0xf: {  	[smem:$0x3FB3] =	sst s7  }
0x10: {  	[smem:$0x3FB4] =	sst s8  }
0x11: {  	[smem:$0x3FB5] =	sst s9;
	s0 =	simm.s32 @!p0 $0x0  }
0x12: {  	s1 =	sld [smem:$0x3F9B];
	s0 =	simm.s32 @p0 $0x1  }
0x13: {  	[smem:$0x3FB6] =	sst s0;
	s0 =	simm.s32 @!p1 $0x0  }
0x14: {  	s2 =	sld [smem:$0x3F9A];
	s0 =	simm.s32 @p1 $0x1  }
0x15: {  	[smem:$0x3FB7] =	sst s0;
	s0 =	simm.s32 @!p2 $0x0  }
0x16: {  	s3 =	sld [smem:$0x3FDB];
	s0 =	simm.s32 @p2 $0x1  }
0x17: {  	s4 =	simm.s32 $0x1BF5;
	[smem:$0x3FB9] =	sst s0  }
0x18: {  	s0 =	sld [smem:$0x3F9C];
	_ =	swait.ge [sflag:s4], $0x0  }
0x19: {  	s7 =	sld [smem:$0x3F9D]  }
0x1a: {  	s8 =	sadd.s32 $0xFFFFE003, lr  }
0x1b: {  	s9 =	sadd.s32 $0xFFFFFEF7, lr;
	s5 =	simm.s32 $0xFFFFFFFF;
	p2 =	slt.u32 s8, $0xFFFFF086  }
0x1c: {  	p1 =	slt.u32 s9, $0xF7A;
	s5 =	simm.s32 @!p2 $0x0  }
0x1d: {  	s5 =	simm.s32 @p1 $0x1;
	p0 =	seq.s32 s7, s2  }
0x1e: {  	s7 =	smul.u32 @!p0 $0xF7A, s2;
	p2 =	seq.s32 @!p0 s5, $0x0  }
0x1f: {  	s9 =	smul.u32 $0xF7A, s1;
	s8 =	simm.s32 @!p0 $0x1BF5;
	p2 =	por !p2, p0  }
0x20: {  	[sflag:s8] =	ssyncset.s32 @!p0 $0xFFFFF086;
	s6 =	sadd.s32 @!p0 s3, s7;
	s7 =	simm.s32 @!p0 $0x108  }
0x21: {  	s3 =	sadd.s32 s3, s9;
	s6 =	sadd.s32 @!p0 $0x88, s6;
	s7 =	simm.s32 @p2 $0x1082  }
0x22: {  	[simem:s7], [sflag:s8] =	dma.local @!p0 [hbm:s6], $0xF7A  }
0x23: {  	s9 =	sor.u32 $0xD0000000, s2;
	s6 =	simm.s32 $0x108;
	_ =	swait.ge @!p0 [sflag:s8], $0x0  }
0x24: {  	s3 =	sadd.s32 $0x88, s3;
	s6 =	simm.s32 @!p1 $0x1082;
	[sflag:s4] =	ssyncset.s32 $0xFFFFF086  }
0x25: {  	[simem:s6], [sflag:s4] =	dma.local [hbm:s3], $0xF7A  }
0x26: {  	[smem:$0x3F9D] =	sst s1;
	(tag) =	ssettag s2;
	_ =	strace s9  }
0x27: {  	s1 =	sld [smem:$0x3FAD]  }
0x28: {  	s2 =	sld [smem:$0x3FAE]  }
0x29: {  	s4 =	sld [smem:$0x3FB0]  }
0x2a: {  	p0 =	seq.s32 s5, $0x0;
	s5 =	sld [smem:$0x3FB1]  }
0x2b: {  	s6 =	sld [smem:$0x3FB2]  }
0x2c: {  	s7 =	sld [smem:$0x3FB3]  }
0x2d: {  	s3 =	simm.s32 $0x108;
	s8 =	sld [smem:$0x3FB4]  }
0x2e: {  	s3 =	simm.s32 @!p0 $0x1082;
	s9 =	sld [smem:$0x3FB5]  }
0x2f: {  	lr =	sadd.s32 s0, s3;
	s0 =	sld [smem:$0x3FAC]  }
0x30: {  	s3 =	sld [smem:$0x3FAF]  }
0x31: {  	[smem:$0x3FB8] =	sst s10  }
0x32: {  	s10 =	sld [smem:$0x3FB6];
	_ =	sdelay $0x3  }
0x33: {  	p0 =	seq.s32 s10, $0x1;
	s10 =	sld [smem:$0x3FB8];
	_ =	sdelay $0x3  }
0x34: {  	[smem:$0x3FB8] =	sst s10  }
0x35: {  	s10 =	sld [smem:$0x3FB7];
	_ =	sdelay $0x3  }
0x36: {  	p1 =	seq.s32 s10, $0x1;
	s10 =	sld [smem:$0x3FB8];
	_ =	sdelay $0x3  }
0x37: {  	[smem:$0x3FB8] =	sst s10  }
0x38: {  	s10 =	sld [smem:$0x3FB9]  }
0x39: {  	_ = 	snop;
	(pc) =	sbr.ind lr, $3  }
0x3a: {  	_ = 	snop  }
0x3b: {  	_ = 	snop  }
0x3c: {  	p2 =	seq.s32 s10, $0x1;
	s10 =	sld [smem:$0x3FB8]  }
0x3d: {  	_ =	shalt  }
0x3e: {  	_ =	shalt  }
0x3f: {  	_ =	shalt  }
0x40: {  	_ =	shalt  }
0x41: {  	_ =	shalt  }
0x42: {  	_ =	shalt  }
0x43: {  	_ =	shalt  }
0x44: {  	_ =	shalt  }
0x45: {  	_ =	shalt  }
0x46: {  	_ =	shalt  }
0x47: {  	_ =	shalt  }
0x48: {  	_ =	shalt  }
0x49: {  	_ =	shalt  }
0x4a: {  	_ =	shalt  }
0x4b: {  	_ =	shalt  }
0x4c: {  	_ =	shalt  }
0x4d: {  	_ =	shalt  }
0x4e: {  	_ =	shalt  }
0x4f: {  	_ =	shalt  }
0x50: {  	_ =	shalt  }
0x51: {  	_ =	shalt  }
0x52: {  	_ =	shalt  }
0x53: {  	_ =	shalt  }
0x54: {  	_ =	shalt  }
0x55: {  	_ =	shalt  }
0x56: {  	_ =	shalt  }
0x57: {  	_ =	shalt  }
0x58: {  	_ =	shalt  }
0x59: {  	_ =	shalt  }
0x5a: {  	_ =	shalt  }
0x5b: {  	_ =	shalt  }
0x5c: {  	_ =	shalt  }
0x5d: {  	_ =	shalt  }
0x5e: {  	_ =	shalt  }
0x5f: {  	_ =	shalt  }
0x60: {  	_ =	shalt  }
0x61: {  	_ =	shalt  }
0x62: {  	_ =	shalt  }
0x63: {  	_ =	shalt  }
0x64: {  	_ =	shalt  }
0x65: {  	_ =	shalt  }
0x66: {  	_ =	shalt  }
0x67: {  	_ =	shalt  }
0x68: {  	_ =	shalt  }
0x69: {  	_ =	shalt  }
0x6a: {  	_ =	shalt  }
0x6b: {  	_ =	shalt  }
0x6c: {  	_ =	shalt  }
0x6d: {  	_ =	shalt  }
0x6e: {  	_ =	shalt  }
0x6f: {  	_ =	shalt  }
0x70: {  	_ =	shalt  }
0x71: {  	_ =	shalt  }
0x72: {  	_ =	shalt  }
0x73: {  	_ =	shalt  }
0x74: {  	_ =	shalt  }
0x75: {  	_ =	shalt  }
0x76: {  	_ =	shalt  }
0x77: {  	_ =	shalt  }
0x78: {  	_ =	shalt  }
0x79: {  	_ =	shalt  }
0x7a: {  	_ =	shalt  }
0x7b: {  	_ =	shalt  }
0x7c: {  	_ =	shalt  }
0x7d: {  	_ =	shalt  }
0x7e: {  	_ =	shalt  }
0x7f: {  	_ =	shalt  }
0x80: {  	_ =	shalt  }
0x81: {  	_ =	shalt  }
0x82: {  	_ =	shalt  }
0x83: {  	_ =	shalt  }
0x84: {  	_ =	shalt  }
0x85: {  	_ =	shalt  }
0x86: {  	_ =	shalt  }
0x87: {  	_ =	shalt  }
.Lfunc_end0:
.L_simem_size_0:
called_computation_lowered:
.L_overlay_start_0:
0x88: {  	s2 =	sld [smem:$0x3FD9]  }
0x89: {  	s3 =	sld [smem:$0x3FFE];
	_ =	sdelay $0x1  }
0x8a: {  	s1 =	srdreg.scid  }
0x8b: {  	s0 =	sand.u32 $0x1, s1  }
0x8c: {  	s14 =	sshll.u32 s0, $0xA;
	s2 =	sadd.s32 s3, s2  }
0x8d: {  	s2 =	sadd.s32 s2, s14  }
0x8e: {  	[smem:$0x3FC4] =	sst s2  }
0x8f: {  	_ = 	snop  }
0x90: {  	s2 =	sld [smem:$0x3FD0];
	_ =	sdelay $0x2  }
0x91: {  	s4 =	simm.s32 $0xA;
	s5 =	simm.s32 $0x10;
	s15 =	sld [smem:$0x3FC9]  }
0x92: {  	[smem:s5], [sflag:s4] =	dma.local [hbm:s2], $0x1  }
0x93: {  	_ =	swait.eq [sflag:s4], $0x1  }
0x94: {  	[sflag:s4] =	ssyncset.done $0x0  }
0x95: {  	[sflag:s4] =	ssyncadd.s32 $0xFFFFFFFF  }
0x96: {  	s16 =	sld [smem:$0x13];
	(tm) =	ssettm $0x1  }
0x97: {  	s17 =	sld [smem:$0x3FFB];
	_ =	sdelay $0x3  }
0x98: {  	_ =	strace s17  }
0x99: {  	s4 =	sld [smem:$0x3FFC];
	_ =	sdelay $0x3  }
0x9a: {  	_ =	strace s4  }
0x9b: {  	s4 =	sld [smem:$0x3FFD];
	_ =	sdelay $0x3  }
0x9c: {  	_ =	strace s4  }
0x9d: {  	_ =	strace $0x8FFFFFFF  }
0x9e: {  	s18 =	sld [smem:$0x3FDB];
	_ =	sdelay $0x1  }
0x9f: {  	s19 =	simm.s32 $_scs_section_size  }
0xa0: {  	s6 =	simm.s32 $_size__tile_overlayer_lowered;
	s7 =	simm.s32 $_tile_overlayer_lowered  }
0xa1: {  	s22 =	simm.s32 $0x1BFF;
	s21 =	sshll.u32 s7, $0x1;
	s4 =	sadd.s32 s19, s18  }
0xa2: {  	s8 =	simm.s32 $0x0;
	s20 =	sshll.u32 s6, $0x1;
	s6 =	sadd.s32 s21, s4  }
0xa3: {  	[timem:s8], [sflag:s22] =	dma.local [hbm:s6], s20  }
0xa4: {  	_ =	swait.ge [sflag:s22], s20  }
0xa5: {  	s5 =	ssub.s32 $0x0, s20;
	[sflag:s22] =	ssyncset.done $0x0  }
0xa6: {  	[sflag:s22] =	ssyncadd.s32 s5;
	_ =	sdelay $0x1  }
0xa7: {  	s23 =	simm.s32 $0x1B8B  }
0xa8: {  	_ =	swait.ge [sflag:s23], $0x1  }
0xa9: {  	[sflag:s23] =	ssyncset.done $0x0  }
0xaa: {  	s25 =	simm.s32 $0x1B8E;
	s24 =	sld [smem:$0x3FFE];
	[sflag:s23] =	ssyncadd.s32 $0xFFFFFFFF  }
0xab: {  	s26 =	simm.s32 $execute0_lowered;
	[smem:$0x3FD2] =	sst s25  }
0xac: {  	s6 =	sshll.u32 s26, $0x1;
	_ =	strace $0x80000046;
	[dreg:$0x1] =	wrdreg $0xFFFFFFFF  }
0xad: {  	s28 =	simm.s32 $_size_execute0_lowered;
	s4 =	sadd.s32 s4, s6;
	[dreg:$0x0] =	wrdreg $0x0  }
0xae: {  	s6 =	sshll.u32 s28, $0x1;
	[dreg:$0x2] =	wrdreg s4  }
0xaf: {  	[dreg:$0x3] =	wrdreg s6  }
0xb0: {  	[dreg:$0x4] =	wrdreg $0xC0  }
0xb1: {  	_ =	task [dreg:s8], $0x5FFFF  }
0xb2: {  	[dreg:$0x1] =	wrdreg $0xFFFFFFFF  }
0xb3: {  	[dreg:$0x0] =	wrdreg $0x60  }
0xb4: {  	[dreg:$0x2] =	wrdreg s15  }
0xb5: {  	[dreg:$0x3] =	wrdreg s24  }
0xb6: {  	[dreg:$0x4] =	wrdreg s16  }
0xb7: {  	[dreg:$0x5] =	wrdreg $0x9  }
0xb8: {  	_ =	task.clear_ibuf [dreg:s8], $0x6FFFF;
	_ =	strace $0x90000046  }
0xb9: {  	s29 =	simm.s32 $0x9;
	_ =	strace $0x80000048  }
0xba: {  	_ =	swait.ge [sflag:s29], $0x1  }
0xbb: {  	[sflag:s29] =	ssyncadd.s32 $0xFFFFFFFF  }
0xbc: {  	_ =	strace $0x90000048  }
0xbd: {  	_ =	sfence  }
0xbe: {  	s30 =	sld [smem:$0x0];
	_ =	sdelay $0x2  }
0xbf: {  	s31 =	sshll.u32 s1, $0xD;
	s1 =	sshrl.u32 s1, $0x2  }
0xc0: {  	s3 =	sand.u32 $0x4000, s31;
	s1 =	sadd.s32 s1, s30  }
0xc1: {  	s0 =	sor.u32 s3, s0;
	s1 =	sshll.u32 s1, $0x11  }
0xc2: {  	s0 =	sor.u32 s1, s0  }
0xc3: {  	s0 =	sadd.s32 $0x8F2B, s0  }
0xc4: {  	[sflag:s0] =	ssyncadd.remote.s32 $0x1  }
0xc5: {  	_ =	sfence.sel $0xFFFF  }
0xc6: {  	[dreg:$0x0] =	wrdreg $0xFFFFFFFF;
	(pc) =	sbr.abs _section_cstart, $3  }
0xc7: {  	[dreg:$0x1] =	wrdreg $0xFFFFFFFF  }
0xc8: {  	_ =	task.clear_ibuf [dreg:s8], $0x2FFFF;
	_ =	strace $0x9FFFFFFF  }
0xc9: {  	(tm) =	ssettm $0x7FFFFFFF  }
tec
execute0_lowered:
.L_overlay_start_1:
0x0: {  	(tag) =	ssettag $0x1  }
0x1: {  	s4 =	rddreg [dreg:$0x0]  }
0x2: {  	s5 =	rddreg [dreg:$0x1]  }
0x3: {  	s2 =	rddreg [dreg:$0x2];
	s1 =	stileid.u32  }
0x4: {  	s0 =	rddreg [dreg:$0x3];
	s3 =	simm.s32 $0x0;
	s9 =	srdreg.scid  }
0x5: {  	s12 =	simm.s32 $0x2;
	s13 =	simm.s32 $0x11780;
	s14 =	simm.s32 $0x1  }
0x6: {  	s15 =	simm.s32 $0x11800;
	s16 =	simm.s32 $0x0;
	s6 =	sshrl.u32 s1, $0x3  }
0x7: {  	s7 =	sshll.u32 s1, $0x7;
	[smem:$0x7FF] =	sst s3;
	s9 =	sand.u32 $0x1, s9  }
0x8: {  	s11 =	sshll.u32 s1, $0xD;
	s8 =	smul.u32 $0x2400, s6;
	s7 =	sand.u32 $0x380, s7  }
0x9: {  	v0 =	vlaneseq.u32;
	s10 =	sshll.u32 s9, $0xB;
	s6 =	sshll.u32 s6, $0xA;
	_ =	strace $0x80000047  }
0xa: {  	v2 =	vimm.f32 $0.0e+00;
	v4 =	vimm.s32 $0x30E;
	v5 =	vimm.s32 $0x0;
	s29 =	sshll.u32 s9, $0x7;
	s30 =	ssub.s32 $0x2, s9;
	s9 =	sshll.u32 s9, $0xC  }
0xb: {  	v6 =	vimm.s32 $0x1;
	v7 =	vimm.s32 $0x2;
	v8 =	vimm.s32 $0x3;
	s6 =	sor.u32 s10, s6;
	s31 =	sshrl.u32 s30, $0x1;
	s4 =	sadd.s32 s4, s9  }
0xc: {  	v9 =	vimm.s32 $0x4;
	v10 =	vimm.s32 $0x5;
	v11 =	vimm.s32 $0x6;
	s9 =	simm.s32 $0x80;
	s10 =	simm.s32 $0x400;
	s8 =	sor.u32 s7, s8  }
0xd: {  	v12 =	vimm.s32 $0x7;
	v13 =	vimm.s32 $0x8;
	v14 =	vimm.s32 $0x9;
	s6 =	sor.u32 s7, s6;
	s7 =	ssub.s32 s30, s31;
	s4 =	sadd.s32 s11, s4  }
0xe: {  	v15 =	vimm.s32 $0xA;
	v16 =	vimm.s32 $0xB;
	v0 =	vmul.u32 $0x2, v0;
	s11 =	simm.s32 $0x11080;
	s8 =	sshrl.u32 s8, $0x3;
	s6 =	sshrl.u32 s6, $0x3  }
0xf: {  	v17 =	vimm.s32 $0xC;
	v18 =	vimm.s32 $0xD;
	v19 =	vimm.s32 $0xE;
	s7 =	smax.u32 s7, $0x1;
	s8 =	sadd.s32 s8, s5;
	s6 =	sadd.s32 s6, s5  }
0x10: {  	v20 =	vimm.s32 $0xF;
	v1 =	vmov s29;
	v3 =	vor.u32 $0x1, v0;
	s5 =	sadd.s32 $0xC00, s8;
	s6 =	sadd.s32 $0x1600, s6;
	s8 =	simm.s32 $0x9080  }
.LBB2_1:
0x11: {  	[tilespmem:s8], [sflag:$0x1] =	stream.linear.gather [hbm4b:s4+s3], $0x8000, $0x38;
	[tilespmem:$0x11880] =	vst v63  }
0x12: {  	_ = 	snop  }
0x13: {  	[tilespmem:s11], [sflag:$0x2] =	stream.strided.gather [hbm4b:s5+s9], $0x480, s10, s9, $0x38;
	[tilespmem:$0x11880] =	vst v63  }
0x14: {  	_ =	swait.ge [sflag:s12], $0x480  }
0x15: {  	[sflag:s12] =	ssyncset.done $0x0  }
0x16: {  	[sflag:s12] =	ssyncadd.s32 $0xFFFFFB80  }
0x17: {  	[tilespmem:s13], [sflag:$0x2] =	stream.linear.gather [hbm4b:s2+s3], $0x80, $0x38;
	[tilespmem:$0x11880] =	vst v63  }
0x18: {  	_ =	swait.ge [sflag:s12], $0x80  }
0x19: {  	[sflag:s12] =	ssyncset.done $0x0  }
0x1a: {  	s17 =	simm.s32 $0x912;
	[sflag:s12] =	ssyncadd.s32 $0xFFFFFF80  }
0x1b: {  	[tilespmem:s17+$0xFFFFFE0C] =	vst v2  }
0x1c: {  	[tilespmem:s17+$0x0] =	vst v2  }
0x1d: {  	[tilespmem:s17+$0xFFFFFFF0] =	vst v2  }
0x1e: {  	[tilespmem:s17+$0xFFFFFFE0] =	vst v2  }
0x1f: {  	[tilespmem:s17+$0xFFFFFFD0] =	vst v2  }
0x20: {  	[tilespmem:s17+$0xFFFFFFC0] =	vst v2  }
0x21: {  	[tilespmem:s17+$0xFFFFFFB0] =	vst v2  }
0x22: {  	[tilespmem:s17+$0xFFFFFFA0] =	vst v2  }
0x23: {  	[tilespmem:s17+$0xFFFFFF90] =	vst v2  }
0x24: {  	[tilespmem:s17+$0xFFFFFF80] =	vst v2  }
0x25: {  	[tilespmem:s17+$0xFFFFFF70] =	vst v2  }
0x26: {  	[tilespmem:s17+$0xFFFFFF60] =	vst v2  }
0x27: {  	[tilespmem:s17+$0xFFFFFF50] =	vst v2  }
0x28: {  	[tilespmem:s17+$0xFFFFFF40] =	vst v2  }
0x29: {  	[tilespmem:s17+$0xFFFFFF30] =	vst v2  }
0x2a: {  	[tilespmem:s17+$0xFFFFFF20] =	vst v2  }
0x2b: {  	[tilespmem:s17+$0xFFFFFF10] =	vst v2  }
0x2c: {  	[tilespmem:s17+$0xFFFFFEFC] =	vst v2  }
0x2d: {  	[tilespmem:s17+$0xFFFFFEEC] =	vst v2  }
0x2e: {  	[tilespmem:s17+$0xFFFFFEDC] =	vst v2  }
0x2f: {  	[tilespmem:s17+$0xFFFFFECC] =	vst v2  }
0x30: {  	[tilespmem:s17+$0xFFFFFEBC] =	vst v2  }
0x31: {  	[tilespmem:s17+$0xFFFFFEAC] =	vst v2  }
0x32: {  	[tilespmem:s17+$0xFFFFFE9C] =	vst v2  }
0x33: {  	[tilespmem:s17+$0xFFFFFE8C] =	vst v2  }
0x34: {  	[tilespmem:s17+$0xFFFFFE7C] =	vst v2  }
0x35: {  	[tilespmem:s17+$0xFFFFFE6C] =	vst v2  }
0x36: {  	[tilespmem:s17+$0xFFFFFE5C] =	vst v2  }
0x37: {  	[tilespmem:s17+$0xFFFFFE4C] =	vst v2  }
0x38: {  	[tilespmem:s17+$0xFFFFFE3C] =	vst v2  }
0x39: {  	s18 =	simm.s32 $0x0;
	[tilespmem:s17+$0xFFFFFE2C] =	vst v2  }
.LBB2_2:
0x3a: {  	s18 =	sadd.s32 $0x2, s18;
	[tilespmem:s17+$0xFFFFFE1C] =	vst v2;
	s17 =	sadd.s32 $0x208, s17  }
0x3b: {  	[tilespmem:s17+$0xFFFFFE0C] =	vst v2;
	p0 =	slt.u32 s18, $0x7E  }
0x3c: {  	[tilespmem:s17+$0x0] =	vst v2  }
0x3d: {  	[tilespmem:s17+$0xFFFFFFF0] =	vst v2  }
0x3e: {  	[tilespmem:s17+$0xFFFFFFE0] =	vst v2  }
0x3f: {  	[tilespmem:s17+$0xFFFFFFD0] =	vst v2  }
0x40: {  	[tilespmem:s17+$0xFFFFFFC0] =	vst v2  }
0x41: {  	[tilespmem:s17+$0xFFFFFFB0] =	vst v2  }
0x42: {  	[tilespmem:s17+$0xFFFFFFA0] =	vst v2  }
0x43: {  	[tilespmem:s17+$0xFFFFFF90] =	vst v2  }
0x44: {  	[tilespmem:s17+$0xFFFFFF80] =	vst v2  }
0x45: {  	[tilespmem:s17+$0xFFFFFF70] =	vst v2  }
0x46: {  	[tilespmem:s17+$0xFFFFFF60] =	vst v2  }
0x47: {  	[tilespmem:s17+$0xFFFFFF50] =	vst v2  }
0x48: {  	[tilespmem:s17+$0xFFFFFF40] =	vst v2  }
0x49: {  	[tilespmem:s17+$0xFFFFFF30] =	vst v2  }
0x4a: {  	[tilespmem:s17+$0xFFFFFF20] =	vst v2  }
0x4b: {  	[tilespmem:s17+$0xFFFFFF10] =	vst v2  }
0x4c: {  	[tilespmem:s17+$0xFFFFFEFC] =	vst v2  }
0x4d: {  	[tilespmem:s17+$0xFFFFFEEC] =	vst v2  }
0x4e: {  	[tilespmem:s17+$0xFFFFFEDC] =	vst v2  }
0x4f: {  	[tilespmem:s17+$0xFFFFFECC] =	vst v2  }
0x50: {  	[tilespmem:s17+$0xFFFFFEBC] =	vst v2  }
0x51: {  	[tilespmem:s17+$0xFFFFFEAC] =	vst v2  }
0x52: {  	[tilespmem:s17+$0xFFFFFE9C] =	vst v2  }
0x53: {  	[tilespmem:s17+$0xFFFFFE8C] =	vst v2  }
0x54: {  	[tilespmem:s17+$0xFFFFFE7C] =	vst v2  }
.Ltmp0:
0x55: {  	[tilespmem:s17+$0xFFFFFE6C] =	vst v2;
	(pc) =	sbr.rel @p0 .LBB2_2-.Ltmp0, $4  }
0x56: {  	[tilespmem:s17+$0xFFFFFE5C] =	vst v2  }
0x57: {  	[tilespmem:s17+$0xFFFFFE4C] =	vst v2  }
0x58: {  	[tilespmem:s17+$0xFFFFFE3C] =	vst v2  }
0x59: {  	[tilespmem:s17+$0xFFFFFE2C] =	vst v2  }
0x5a: {  	[tilespmem:s17+$0xFFFFFE1C] =	vst v2  }
0x5b: {  	v21 =	vld [tilespmem:$0x11480];
	_ =	sdelay $0x1  }
0x5c: {  	s17 =	simm.s32 $0x0  }
0x5d: {  	v22 =	vor.u32 s17, v3;
	_ =	sdelay $0x1  }
0x5e: {  	(erf) = vrcp.f32 v21;
	_ =	sdelay $0x2  }
0x5f: {  	v21 =	vld.idx.msk [tilespmem:v22+s11+$0x0], $0xffff;
	_ =	sdelay $0x2  }
0x60: {  	v22 =	vor.u32 s17, v0;
	_ =	sdelay $0x1  }
0x61: {  	v23 =	vcvt.s32.f32 v21  }
0x62: {  	v21 =	vpop (erf)  }
0x63: {  	v23 =	vmul.f32 v23, v21  }
0x64: {  	v22 =	vld.idx.msk [tilespmem:v22+s11+$0x0], $0xffff  }
0x65: {  	v23 =	vmax.f32 v23, $0.0e+00  }
0x66: {  	v23 =	vmin.f32 v23, $2.550000000e+02  }
0x67: {  	v23 =	vtrunc.f32 v23  }
0x68: {  	v23 =	vcvt.f32.s32 v23  }
0x69: {  	v22 =	vcvt.s32.f32 v22  }
0x6a: {  	v23 =	vsub.s32 v23, v1  }
0x6b: {  	v22 =	vmul.f32 v22, v21;
	v24 =	vadd.s32 $0x2, v23  }
0x6c: {  	vm0 =	vgt.s32 v23, $0xFFFFFFFC;
	vm1 =	vlt.u32 v24, $0x84  }
0x6d: {  	v22 =	vmax.f32 v22, $0.0e+00;
	v23 =	vnsel vm0, $0xFFFFFFFC, v23;
	v24 =	vmpcnt.ones.xlane vm1  }
0x6e: {  	v22 =	vmin.f32 v22, $2.550000000e+02;
	vm0 =	vlt.s32 v23, $0x83  }
0x6f: {  	s18 =	simm.s32 $0x20;
	v22 =	vtrunc.f32 v22;
	v23 =	vnsel vm0, $0x83, v23;
	v24 =	vxor.u32 $0x80000000, v24  }
0x70: {  	v25 =	vor.u32 s18, v3;
	v22 =	vcvt.f32.s32 v22;
	v23 =	vmul.u32 $0x104, v23;
	(xrf0) =	vmax.scan.msk.u32 $0xffff, v24;
	_ =	sdelay $0x1  }
0x71: {  	v22 =	vadd.s32 v23, v22  }
0x72: {  	v22 =	vadd.s32 $0x71E, v22  }
0x73: {  	[tilespmem:s17+$0x11500] =	vst.msk vm1, v22  }
0x74: {  	v22 =	vld.idx.msk [tilespmem:v25+s11+$0x0], $0xffff  }
0x75: {  	v23 =	vor.u32 s18, v0;
	v24, _, _ =	vpop (xrf0)  }
0x76: {  	(v2sf) =	vpush v24, $0xF;
	_ =	sdelay $0x2  }
0x77: {  	v22 =	vcvt.s32.f32 v22  }
0x78: {  	v23 =	vld.idx.msk [tilespmem:v23+s11+$0x0], $0xffff  }
0x79: {  	v22 =	vmul.f32 v22, v21;
	_ =	sdelay $0x1  }
0x7a: {  	v22 =	vmax.f32 v22, $0.0e+00  }
0x7b: {  	v22 =	vmin.f32 v22, $2.550000000e+02  }
0x7c: {  	v23 =	vcvt.s32.f32 v23;
	v22 =	vtrunc.f32 v22  }
0x7d: {  	v22 =	vcvt.f32.s32 v22  }
0x7e: {  	v23 =	vmul.f32 v23, v21  }
0x7f: {  	v22 =	vsub.s32 v22, v1  }
0x80: {  	v23 =	vmax.f32 v23, $0.0e+00;
	v24 =	vadd.s32 $0x2, v22;
	vm1 =	vgt.s32 v22, $0xFFFFFFFC  }
0x81: {  	v23 =	vmin.f32 v23, $2.550000000e+02;
	vm0 =	vlt.u32 v24, $0x84;
	v24 =	vnsel vm1, $0xFFFFFFFC, v22  }
0x82: {  	s19 =	simm.s32 $0x60;
	s18 =	simm.s32 $0x40;
	v23 =	vtrunc.f32 v23;
	vm1 =	vlt.s32 v24, $0x83;
	v22 =	vmpcnt.ones.xlane vm0;
	s20 =	spop (v2sf)  }
.LBB2_4:
0x83: {  	p0 =	sne.s32 s19, $0x3E0  }
0x84: {  	v25 =	vor.u32 s18, v3;
	v24 =	vnsel vm1, $0x83, v24;
	s17 =	sadd.s32 s20, s17;
	s20 =	smov.u32 s19;
	s19 =	sadd.s32 $0x20, s19  }
0x85: {  	v23 =	vcvt.f32.s32 v23;
	v24 =	vmul.u32 $0x104, v24;
	v22 =	vxor.u32 $0x80000000, v22;
	s17 =	sadd.s32 $0x80000000, s17  }
0x86: {  	(xrf0) =	vmax.scan.msk.u32 $0xffff, v22  }
0x87: {  	v22 =	vadd.s32 v24, v23  }
0x88: {  	v22 =	vadd.s32 $0x71E, v22  }
0x89: {  	[tilespmem:s17+$0x11500] =	vst.msk vm0, v22  }
0x8a: {  	v22 =	vld.idx.msk [tilespmem:v25+s11+$0x0], $0xffff  }
0x8b: {  	v23 =	vor.u32 s18, v0;
	s18 =	smov.u32 s20  }
0x8c: {  	v24, _, _ =	vpop (xrf0)  }
0x8d: {  	(v2sf) =	vpush v24, $0xF;
	_ =	sdelay $0x2  }
0x8e: {  	v22 =	vcvt.s32.f32 v22;
	v23 =	vld.idx.msk [tilespmem:v23+s11+$0x0], $0xffff;
	_ =	sdelay $0x1  }
0x8f: {  	v22 =	vmul.f32 v22, v21;
	_ =	sdelay $0x1  }
0x90: {  	v22 =	vmax.f32 v22, $0.0e+00  }
0x91: {  	v22 =	vmin.f32 v22, $2.550000000e+02  }
0x92: {  	v23 =	vcvt.s32.f32 v23;
	v22 =	vtrunc.f32 v22  }
0x93: {  	v22 =	vcvt.f32.s32 v22  }
.Ltmp1:
0x94: {  	v23 =	vmul.f32 v23, v21;
	(pc) =	sbr.rel @p0 .LBB2_4-.Ltmp1, $4  }
0x95: {  	v22 =	vsub.s32 v22, v1  }
0x96: {  	v23 =	vmax.f32 v23, $0.0e+00;
	v24 =	vadd.s32 $0x2, v22;
	vm1 =	vgt.s32 v22, $0xFFFFFFFC  }
0x97: {  	v23 =	vmin.f32 v23, $2.550000000e+02;
	vm0 =	vlt.u32 v24, $0x84;
	v24 =	vnsel vm1, $0xFFFFFFFC, v22  }
0x98: {  	v23 =	vtrunc.f32 v23;
	vm1 =	vlt.s32 v24, $0x83;
	v22 =	vmpcnt.ones.xlane vm0;
	s20 =	spop (v2sf)  }
0x99: {  	v24 =	vnsel vm1, $0x83, v24  }
0x9a: {  	v25 =	vor.u32 s18, v3;
	v23 =	vcvt.f32.s32 v23;
	v24 =	vmul.u32 $0x104, v24;
	_ =	sdelay $0x1  }
0x9b: {  	s17 =	sadd.s32 s20, s17;
	v23 =	vadd.s32 v24, v23  }
0x9c: {  	s17 =	sadd.s32 $0x80000000, s17;
	v23 =	vadd.s32 $0x71E, v23  }
0x9d: {  	[tilespmem:s17+$0x11500] =	vst.msk vm0, v23  }
0x9e: {  	v23 =	vld.idx.msk [tilespmem:v25+s11+$0x0], $0xffff;
	_ =	sdelay $0x4  }
0x9f: {  	v23 =	vcvt.s32.f32 v23;
	_ =	sdelay $0x1  }
0xa0: {  	v23 =	vmul.f32 v23, v21;
	_ =	sdelay $0x1  }
0xa1: {  	v23 =	vmax.f32 v23, $0.0e+00  }
0xa2: {  	v23 =	vmin.f32 v23, $2.550000000e+02  }
0xa3: {  	v23 =	vtrunc.f32 v23  }
0xa4: {  	v23 =	vcvt.f32.s32 v23;
	_ =	sdelay $0x1  }
0xa5: {  	v23 =	vsub.s32 v23, v1  }
0xa6: {  	v62 =	vadd.s32 $0x2, v23  }
0xa7: {  	vm14 =	vlt.u32 v62, $0x84  }
0xa8: {  	v22 =	vxor.u32 $0x80000000, v22;
	v24 =	vmpcnt.ones.xlane vm14  }
0xa9: {  	(xrf0) =	vmax.scan.msk.u32 $0xffff, v22  }
0xaa: {  	v22 =	vxor.u32 $0x80000000, v24  }
0xab: {  	(xrf0) =	vmax.scan.msk.u32 $0xffff, v22;
	_ =	sdelay $0x3  }
0xac: {  	v22, _, _ =	vpop (xrf0)  }
0xad: {  	(v2sf) =	vpush v22, $0xF  }
0xae: {  	v63, _, _ =	vpop (xrf0)  }
0xaf: {  	(v2sf) =	vpush v63, $0xF;
	_ =	sdelay $0x2  }
0xb0: {  	v22 =	vor.u32 s18, v0;
	_ =	sdelay $0x4  }
0xb1: {  	v22 =	vld.idx.msk [tilespmem:v22+s11+$0x0], $0xffff;
	_ =	sdelay $0x4  }
0xb2: {  	v22 =	vcvt.s32.f32 v22;
	s30 =	spop (v2sf)  }
0xb3: {  	s17 =	sadd.s32 s30, s17  }
0xb4: {  	v21 =	vmul.f32 v22, v21;
	s17 =	sadd.s32 $0x80000000, s17;
	s31 =	spop (v2sf)  }
0xb5: {  	vm15 =	vgt.s32 v23, $0xFFFFFFFC;
	s18 =	sadd.s32 s31, s17  }
0xb6: {  	v22 =	vnsel vm15, $0xFFFFFFFC, v23;
	v21 =	vmax.f32 v21, $0.0e+00;
	s19 =	sadd.s32 $0x80000000, s18  }
0xb7: {  	vm1 =	vlt.s32 v22, $0x83;
	v21 =	vmin.f32 v21, $2.550000000e+02;
	s18 =	sadd.s32 $0xF, s19  }
0xb8: {  	v22 =	vnsel vm1, $0x83, v22;
	v21 =	vtrunc.f32 v21;
	s18 =	sshra.s32 s18, $0x4  }
0xb9: {  	v22 =	vmul.u32 $0x104, v22;
	v21 =	vcvt.f32.s32 v21;
	p0 =	slt.s32 s18, $0x1  }
.Ltmp2:
0xba: {  	_ = 	snop;
	(pc) =	sbr.rel @p0 .LBB2_9-.Ltmp2, $4  }
0xbb: {  	v21 =	vadd.s32 v22, v21  }
0xbc: {  	v21 =	vadd.s32 $0x71E, v21  }
0xbd: {  	[tilespmem:s17+$0x11500] =	vst.msk vm14, v21  }
0xbe: {  	[tilespmem:s19+$0x11500] =	vst v4  }
0xbf: {  	s17 =	simm.s32 $0x11500  }
0xc0: {  	v25 =	vld [tilespmem:s17+$0x0];
	_ =	sdelay $0x1  }
0xc1: {  	v21 =	vld [tilespmem:$0x11780]  }
0xc2: {  	v22 =	vld [tilespmem:$0x11790];
	_ =	sdelay $0x1  }
0xc3: {  	v26 =	vperm.xlane v25, v5;
	_ =	sdelay $0x1  }
0xc4: {  	v23 =	vld [tilespmem:$0x117A0];
	v27 =	vperm.xlane v25, v6;
	v28 =	vadd.s32 v21, v26  }
0xc5: {  	v24 =	vld [tilespmem:$0x117B0];
	v26 =	vadd.s32 v22, v26  }
0xc6: {  	v29 =	vperm.xlane v25, v7;
	v30 =	vadd.s32 v21, v27  }
0xc7: {  	v27 =	vadd.s32 v22, v27  }
0xc8: {  	v31 =	vperm.xlane v25, v8;
	v32 =	vadd.s32 v21, v29  }
0xc9: {  	v38 =	vadd.s32 v22, v29;
	[tilespmem:v28+s3+$0x0] =	vst.idx.add.f32.msk $0xffff, v23  }
0xca: {  	v39 =	vperm.xlane v25, v9;
	[tilespmem:v26+s3+$0x0] =	vst.idx.add.f32.msk $0xffff, v24;
	v26 =	vadd.s32 v21, v31  }
0xcb: {  	v40 =	vadd.s32 v22, v31;
	[tilespmem:v30+s3+$0x0] =	vst.idx.add.f32.msk $0xffff, v23  }
0xcc: {  	v41 =	vperm.xlane v25, v10;
	[tilespmem:v27+s3+$0x0] =	vst.idx.add.f32.msk $0xffff, v24;
	v27 =	vadd.s32 v21, v39  }
0xcd: {  	v29 =	vadd.s32 v22, v39;
	[tilespmem:v32+s3+$0x0] =	vst.idx.add.f32.msk $0xffff, v23  }
0xce: {  	v42 =	vperm.xlane v25, v11;
	v43 =	vadd.s32 v21, v41;
	[tilespmem:v38+s3+$0x0] =	vst.idx.add.f32.msk $0xffff, v24  }
0xcf: {  	[tilespmem:v26+s3+$0x0] =	vst.idx.add.f32.msk $0xffff, v23;
	v26 =	vadd.s32 v22, v41  }
0xd0: {  	v44 =	vperm.xlane v25, v12;
	v45 =	vadd.s32 v21, v42;
	[tilespmem:v40+s3+$0x0] =	vst.idx.add.f32.msk $0xffff, v24  }
0xd1: {  	[tilespmem:v27+s3+$0x0] =	vst.idx.add.f32.msk $0xffff, v23;
	v27 =	vadd.s32 v22, v42  }
0xd2: {  	v46 =	vperm.xlane v25, v13;
	v47 =	vadd.s32 v21, v44;
	[tilespmem:v29+s3+$0x0] =	vst.idx.add.f32.msk $0xffff, v24  }
0xd3: {  	v48 =	vadd.s32 v22, v44;
	[tilespmem:v43+s3+$0x0] =	vst.idx.add.f32.msk $0xffff, v23  }
0xd4: {  	v49 =	vperm.xlane v25, v14;
	[tilespmem:v26+s3+$0x0] =	vst.idx.add.f32.msk $0xffff, v24;
	v26 =	vadd.s32 v21, v46  }
0xd5: {  	v50 =	vadd.s32 v22, v46;
	[tilespmem:v45+s3+$0x0] =	vst.idx.add.f32.msk $0xffff, v23  }
0xd6: {  	v51 =	vperm.xlane v25, v15;
	[tilespmem:v27+s3+$0x0] =	vst.idx.add.f32.msk $0xffff, v24;
	v27 =	vadd.s32 v21, v49  }
0xd7: {  	v52 =	vadd.s32 v22, v49;
	[tilespmem:v47+s3+$0x0] =	vst.idx.add.f32.msk $0xffff, v23  }
0xd8: {  	v53 =	vperm.xlane v25, v16;
	v54 =	vadd.s32 v21, v51;
	[tilespmem:v48+s3+$0x0] =	vst.idx.add.f32.msk $0xffff, v24  }
0xd9: {  	[tilespmem:v26+s3+$0x0] =	vst.idx.add.f32.msk $0xffff, v23;
	v26 =	vadd.s32 v22, v51  }
0xda: {  	v55 =	vperm.xlane v25, v17;
	v56 =	vadd.s32 v21, v53;
	[tilespmem:v50+s3+$0x0] =	vst.idx.add.f32.msk $0xffff, v24  }
0xdb: {  	[tilespmem:v27+s3+$0x0] =	vst.idx.add.f32.msk $0xffff, v23;
	v27 =	vadd.s32 v22, v53  }
0xdc: {  	v57 =	vperm.xlane v25, v18;
	v58 =	vadd.s32 v21, v55;
	[tilespmem:v52+s3+$0x0] =	vst.idx.add.f32.msk $0xffff, v24  }
0xdd: {  	v59 =	vadd.s32 v22, v55;
	[tilespmem:v54+s3+$0x0] =	vst.idx.add.f32.msk $0xffff, v23  }
0xde: {  	v60 =	vperm.xlane v25, v19;
	[tilespmem:v26+s3+$0x0] =	vst.idx.add.f32.msk $0xffff, v24;
	v26 =	vadd.s32 v21, v57  }
0xdf: {  	v61 =	vadd.s32 v22, v57;
	[tilespmem:v56+s3+$0x0] =	vst.idx.add.f32.msk $0xffff, v23  }
0xe0: {  	v25 =	vperm.xlane v25, v20;
	[tilespmem:v27+s3+$0x0] =	vst.idx.add.f32.msk $0xffff, v24;
	v27 =	vadd.s32 v21, v60  }
0xe1: {  	v62 =	vadd.s32 v22, v60;
	[tilespmem:v58+s3+$0x0] =	vst.idx.add.f32.msk $0xffff, v23  }
0xe2: {  	p0 =	sne.s32 s18, $0x1;
	v63 =	vadd.s32 v21, v25;
	[tilespmem:v59+s3+$0x0] =	vst.idx.add.f32.msk $0xffff, v24  }
.Ltmp3:
0xe3: {  	v25 =	vadd.s32 v22, v25;
	[tilespmem:v26+s3+$0x0] =	vst.idx.add.f32.msk $0xffff, v23;
	(pc) =	sbr.rel @!p0 .LBB2_8-.Ltmp3, $4  }
0xe4: {  	[tilespmem:v61+s3+$0x0] =	vst.idx.add.f32.msk $0xffff, v24  }
0xe5: {  	[tilespmem:v27+s3+$0x0] =	vst.idx.add.f32.msk $0xffff, v23  }
0xe6: {  	[tilespmem:v62+s3+$0x0] =	vst.idx.add.f32.msk $0xffff, v24  }
0xe7: {  	s18 =	sadd.s32 $0xFFFFFFFF, s18;
	[tilespmem:v63+s3+$0x0] =	vst.idx.add.f32.msk $0xffff, v23  }
.LBB2_7:
0xe8: {  	p0 =	sne.s32 s18, $0x1;
	s18 =	sadd.s32 $0xFFFFFFFF, s18;
	[tilespmem:v25+s3+$0x0] =	vst.idx.add.f32.msk $0xffff, v24;
	s17 =	sadd.s32 $0x10, s17  }
0xe9: {  	v25 =	vld [tilespmem:s17+$0x0];
	_ =	sdelay $0x4  }
0xea: {  	v26 =	vperm.xlane v25, v5;
	v27 =	vperm.xlane v25, v6  }
0xeb: {  	v28 =	vperm.xlane v25, v7;
	v29 =	vperm.xlane v25, v8  }
0xec: {  	v31 =	vperm.xlane v25, v9;
	v32 =	vperm.xlane v25, v10;
	v30 =	vadd.s32 v21, v26  }
0xed: {  	v33 =	vperm.xlane v25, v11;
	v34 =	vperm.xlane v25, v12;
	v26 =	vadd.s32 v22, v26  }
0xee: {  	v36 =	vperm.xlane v25, v13;
	v37 =	vperm.xlane v25, v14;
	v35 =	vadd.s32 v21, v27  }
0xef: {  	v38 =	vperm.xlane v25, v15;
	v39 =	vperm.xlane v25, v16;
	v27 =	vadd.s32 v22, v27  }
0xf0: {  	v41 =	vperm.xlane v25, v17;
	v42 =	vperm.xlane v25, v18;
	v40 =	vadd.s32 v21, v28  }
0xf1: {  	v28 =	vadd.s32 v22, v28;
	[tilespmem:v30+s3+$0x0] =	vst.idx.add.f32.msk $0xffff, v23;
	v30 =	vperm.xlane v25, v19  }
0xf2: {  	v25 =	vperm.xlane v25, v20;
	[tilespmem:v26+s3+$0x0] =	vst.idx.add.f32.msk $0xffff, v24;
	v26 =	vadd.s32 v21, v29  }
0xf3: {  	v29 =	vadd.s32 v22, v29;
	[tilespmem:v35+s3+$0x0] =	vst.idx.add.f32.msk $0xffff, v23  }
0xf4: {  	[tilespmem:v27+s3+$0x0] =	vst.idx.add.f32.msk $0xffff, v24;
	v27 =	vadd.s32 v21, v31  }
0xf5: {  	v31 =	vadd.s32 v22, v31;
	[tilespmem:v40+s3+$0x0] =	vst.idx.add.f32.msk $0xffff, v23  }
0xf6: {  	[tilespmem:v28+s3+$0x0] =	vst.idx.add.f32.msk $0xffff, v24;
	v28 =	vadd.s32 v21, v32  }
0xf7: {  	[tilespmem:v26+s3+$0x0] =	vst.idx.add.f32.msk $0xffff, v23;
	v26 =	vadd.s32 v22, v32  }
0xf8: {  	[tilespmem:v29+s3+$0x0] =	vst.idx.add.f32.msk $0xffff, v24;
	v29 =	vadd.s32 v21, v33  }
0xf9: {  	[tilespmem:v27+s3+$0x0] =	vst.idx.add.f32.msk $0xffff, v23;
	v27 =	vadd.s32 v22, v33  }
0xfa: {  	[tilespmem:v31+s3+$0x0] =	vst.idx.add.f32.msk $0xffff, v24;
	v31 =	vadd.s32 v21, v34  }
0xfb: {  	[tilespmem:v28+s3+$0x0] =	vst.idx.add.f32.msk $0xffff, v23;
	v28 =	vadd.s32 v22, v34  }
0xfc: {  	[tilespmem:v26+s3+$0x0] =	vst.idx.add.f32.msk $0xffff, v24;
	v26 =	vadd.s32 v21, v36  }
0xfd: {  	[tilespmem:v29+s3+$0x0] =	vst.idx.add.f32.msk $0xffff, v23;
	v29 =	vadd.s32 v22, v36  }
0xfe: {  	[tilespmem:v27+s3+$0x0] =	vst.idx.add.f32.msk $0xffff, v24;
	v27 =	vadd.s32 v21, v37  }
0xff: {  	[tilespmem:v31+s3+$0x0] =	vst.idx.add.f32.msk $0xffff, v23;
	v31 =	vadd.s32 v22, v37  }
0x100: {  	[tilespmem:v28+s3+$0x0] =	vst.idx.add.f32.msk $0xffff, v24;
	v28 =	vadd.s32 v21, v38  }
0x101: {  	[tilespmem:v26+s3+$0x0] =	vst.idx.add.f32.msk $0xffff, v23;
	v26 =	vadd.s32 v22, v38  }
0x102: {  	[tilespmem:v29+s3+$0x0] =	vst.idx.add.f32.msk $0xffff, v24;
	v29 =	vadd.s32 v21, v39  }
0x103: {  	[tilespmem:v27+s3+$0x0] =	vst.idx.add.f32.msk $0xffff, v23;
	v27 =	vadd.s32 v22, v39  }
0x104: {  	[tilespmem:v31+s3+$0x0] =	vst.idx.add.f32.msk $0xffff, v24;
	v31 =	vadd.s32 v21, v41  }
0x105: {  	[tilespmem:v28+s3+$0x0] =	vst.idx.add.f32.msk $0xffff, v23;
	v28 =	vadd.s32 v22, v41  }
0x106: {  	[tilespmem:v26+s3+$0x0] =	vst.idx.add.f32.msk $0xffff, v24;
	v26 =	vadd.s32 v21, v42  }
0x107: {  	[tilespmem:v29+s3+$0x0] =	vst.idx.add.f32.msk $0xffff, v23;
	v29 =	vadd.s32 v22, v42  }
0x108: {  	[tilespmem:v27+s3+$0x0] =	vst.idx.add.f32.msk $0xffff, v24;
	v27 =	vadd.s32 v21, v30  }
0x109: {  	v30 =	vadd.s32 v22, v30;
	[tilespmem:v31+s3+$0x0] =	vst.idx.add.f32.msk $0xffff, v23  }
0x10a: {  	[tilespmem:v28+s3+$0x0] =	vst.idx.add.f32.msk $0xffff, v24;
	v28 =	vadd.s32 v21, v25  }
.Ltmp4:
0x10b: {  	v25 =	vadd.s32 v22, v25;
	[tilespmem:v26+s3+$0x0] =	vst.idx.add.f32.msk $0xffff, v23;
	(pc) =	sbr.rel @p0 .LBB2_7-.Ltmp4, $4  }
0x10c: {  	[tilespmem:v29+s3+$0x0] =	vst.idx.add.f32.msk $0xffff, v24  }
0x10d: {  	[tilespmem:v27+s3+$0x0] =	vst.idx.add.f32.msk $0xffff, v23  }
0x10e: {  	[tilespmem:v30+s3+$0x0] =	vst.idx.add.f32.msk $0xffff, v24  }
0x10f: {  	[tilespmem:v28+s3+$0x0] =	vst.idx.add.f32.msk $0xffff, v23  }
.LBB2_8:
0x110: {  	_ =	sdelay $0x3  }
0x111: {  	[tilespmem:v25+s3+$0x0] =	vst.idx.add.f32.msk $0xffff, v24  }
.LBB2_9:
0x112: {  	_ =	swait.ge [sflag:s14], $0x8000;
	s18 =	simm.s32 $0x0  }
0x113: {  	s17 =	simm.s32 $0x912;
	[sflag:s14] =	ssyncset.done $0x0;
	s19 =	sand.u32 $0x7800, s18  }
0x114: {  	s20 =	sand.u32 $0x300, s18;
	[sflag:s14] =	ssyncadd.s32 $0xFFFF8000;
	s19 =	sadd.s32 $0x9080, s19  }
0x115: {  	s20 =	sor.u32 s20, s19;
	v21 =	vld [tilespmem:s17+$0xFFFFFE0C]  }
0x116: {  	v22 =	vld [tilespmem:s20+$0x0]  }
0x117: {  	v23 =	vld [tilespmem:s17+$0xFFFFFE1C]  }
0x118: {  	v24 =	vld [tilespmem:s20+$0x10]  }
0x119: {  	v25 =	vld [tilespmem:s17+$0xFFFFFE2C]  }
0x11a: {  	v26 =	vld [tilespmem:s20+$0x20]  }
0x11b: {  	v27 =	vld [tilespmem:s17+$0xFFFFFE3C];
	v22 =	vmul.f32 v21, v22  }
0x11c: {  	v28 =	vimm.f32 $0.0e+00;
	v30 =	vld [tilespmem:s20+$0x30];
	v29 =	vmul.f32 v21, v21  }
0x11d: {  	v31 =	vld [tilespmem:s17+$0xFFFFFE4C];
	v24 =	vmul.f32 v23, v24;
	v21 =	vadd.f32 v21, v28;
	v22 =	vadd.f32 v22, v28  }
0x11e: {  	v32 =	vld [tilespmem:s20+$0x40];
	v28 =	vadd.f32 v29, v28;
	v29 =	vmul.f32 v23, v23  }
0x11f: {  	v21 =	vadd.f32 v23, v21;
	v22 =	vadd.f32 v24, v22;
	v24 =	vmul.f32 v25, v26;
	v26 =	vld [tilespmem:s17+$0xFFFFFE5C]  }
0x120: {  	v23 =	vadd.f32 v29, v28;
	v28 =	vmul.f32 v25, v25;
	v29 =	vld [tilespmem:s20+$0x50]  }
0x121: {  	v21 =	vadd.f32 v25, v21;
	v22 =	vadd.f32 v24, v22;
	v24 =	vmul.f32 v27, v30;
	v30 =	vld [tilespmem:s17+$0xFFFFFE6C]  }
0x122: {  	v25 =	vmul.f32 v27, v27;
	v23 =	vadd.f32 v28, v23;
	v28 =	vld [tilespmem:s20+$0x60]  }
0x123: {  	v57 =	vld [tilespmem:s17+$0xFFFFFE7C];
	v21 =	vadd.f32 v27, v21;
	v22 =	vadd.f32 v24, v22;
	v24 =	vmul.f32 v31, v32  }
0x124: {  	v27 =	vld [tilespmem:s20+$0x70];
	v23 =	vadd.f32 v25, v23;
	v25 =	vmul.f32 v31, v31  }
0x125: {  	v21 =	vadd.f32 v31, v21;
	v31 =	vld [tilespmem:s20+$0x400];
	v22 =	vadd.f32 v24, v22;
	v24 =	vmul.f32 v26, v29  }
0x126: {  	v29 =	vld [tilespmem:s17+$0xFFFFFE8C];
	v23 =	vadd.f32 v25, v23;
	v25 =	vmul.f32 v26, v26  }
0x127: {  	v21 =	vadd.f32 v26, v21;
	v26 =	vld [tilespmem:s20+$0x410];
	v22 =	vadd.f32 v24, v22;
	v24 =	vmul.f32 v30, v28  }
0x128: {  	v28 =	vld [tilespmem:s17+$0xFFFFFE9C];
	v23 =	vadd.f32 v25, v23;
	v25 =	vmul.f32 v30, v30  }
0x129: {  	v21 =	vadd.f32 v30, v21;
	v30 =	vld [tilespmem:s20+$0x420];
	v22 =	vadd.f32 v24, v22;
	v24 =	vmul.f32 v57, v27  }
0x12a: {  	v27 =	vld [tilespmem:s17+$0xFFFFFEAC];
	v23 =	vadd.f32 v25, v23;
	v25 =	vmul.f32 v57, v57  }
0x12b: {  	v58 =	vld [tilespmem:s20+$0x430];
	v21 =	vadd.f32 v57, v21;
	v22 =	vadd.f32 v24, v22;
	v24 =	vmul.f32 v29, v31  }
0x12c: {  	v31 =	vld [tilespmem:s17+$0xFFFFFEBC];
	v23 =	vadd.f32 v25, v23;
	v25 =	vmul.f32 v29, v29  }
0x12d: {  	v21 =	vadd.f32 v29, v21;
	v29 =	vld [tilespmem:s20+$0x440];
	v22 =	vadd.f32 v24, v22;
	v24 =	vmul.f32 v28, v26  }
0x12e: {  	v26 =	vld [tilespmem:s17+$0xFFFFFECC];
	v23 =	vadd.f32 v25, v23;
	v25 =	vmul.f32 v28, v28  }
0x12f: {  	v21 =	vadd.f32 v28, v21;
	v28 =	vld [tilespmem:s20+$0x450];
	v22 =	vadd.f32 v24, v22;
	v24 =	vmul.f32 v27, v30  }
0x130: {  	v30 =	vld [tilespmem:s17+$0xFFFFFEDC];
	v23 =	vadd.f32 v25, v23;
	v25 =	vmul.f32 v27, v27  }
0x131: {  	v59 =	vld [tilespmem:s17+$0xFFFFFEEC];
	v21 =	vadd.f32 v27, v21;
	v22 =	vadd.f32 v24, v22;
	v24 =	vmul.f32 v31, v58  }
0x132: {  	s21 =	simm.s32 $0x80;
	v27 =	vld [tilespmem:s20+$0x460];
	v23 =	vadd.f32 v25, v23;
	v25 =	vmul.f32 v31, v31  }
0x133: {  	s31 =	sand.u32 $0x380, s21;
	v21 =	vadd.f32 v31, v21;
	v31 =	vld [tilespmem:s20+$0x470];
	v22 =	vadd.f32 v24, v22;
	v24 =	vmul.f32 v26, v29  }
0x134: {  	s21 =	sadd.s32 s31, s19;
	v29 =	vld [tilespmem:s17+$0xFFFFFEFC];
	v23 =	vadd.f32 v25, v23;
	v25 =	vmul.f32 v26, v26  }
0x135: {  	v21 =	vadd.f32 v26, v21;
	v26 =	vld [tilespmem:s21+$0x0];
	v22 =	vadd.f32 v24, v22;
	v24 =	vmul.f32 v30, v28  }
0x136: {  	v28 =	vld [tilespmem:s17+$0xFFFFFF10];
	v23 =	vadd.f32 v25, v23;
	v25 =	vmul.f32 v30, v30  }
0x137: {  	v21 =	vadd.f32 v30, v21;
	v30 =	vld [tilespmem:s21+$0x10];
	v22 =	vadd.f32 v24, v22;
	v24 =	vmul.f32 v59, v27  }
0x138: {  	v27 =	vld [tilespmem:s17+$0xFFFFFF20];
	v23 =	vadd.f32 v25, v23;
	v25 =	vmul.f32 v59, v59  }
0x139: {  	v60 =	vld [tilespmem:s21+$0x20];
	v21 =	vadd.f32 v59, v21;
	v22 =	vadd.f32 v24, v22;
	v24 =	vmul.f32 v29, v31  }
0x13a: {  	v31 =	vld [tilespmem:s17+$0xFFFFFF30];
	v23 =	vadd.f32 v25, v23;
	v25 =	vmul.f32 v29, v29  }
0x13b: {  	v21 =	vadd.f32 v29, v21;
	v29 =	vld [tilespmem:s21+$0x30];
	v22 =	vadd.f32 v24, v22;
	v24 =	vmul.f32 v28, v26  }
0x13c: {  	v26 =	vld [tilespmem:s17+$0xFFFFFF40];
	v23 =	vadd.f32 v25, v23;
	v25 =	vmul.f32 v28, v28  }
0x13d: {  	v21 =	vadd.f32 v28, v21;
	v28 =	vld [tilespmem:s21+$0x40];
	v22 =	vadd.f32 v24, v22;
	v24 =	vmul.f32 v27, v30  }
0x13e: {  	v30 =	vld [tilespmem:s17+$0xFFFFFF50];
	v23 =	vadd.f32 v25, v23;
	v25 =	vmul.f32 v27, v27  }
0x13f: {  	v61 =	vld [tilespmem:s17+$0xFFFFFF60];
	v21 =	vadd.f32 v27, v21;
	v22 =	vadd.f32 v24, v22;
	v24 =	vmul.f32 v31, v60  }
0x140: {  	v27 =	vld [tilespmem:s21+$0x50];
	v23 =	vadd.f32 v25, v23;
	v25 =	vmul.f32 v31, v31  }
0x141: {  	v21 =	vadd.f32 v31, v21;
	v31 =	vld [tilespmem:s21+$0x60];
	v22 =	vadd.f32 v24, v22;
	v24 =	vmul.f32 v26, v29  }
0x142: {  	v29 =	vld [tilespmem:s17+$0xFFFFFF70];
	v23 =	vadd.f32 v25, v23;
	v25 =	vmul.f32 v26, v26  }
0x143: {  	v21 =	vadd.f32 v26, v21;
	v26 =	vld [tilespmem:s21+$0x70];
	v22 =	vadd.f32 v24, v22;
	v24 =	vmul.f32 v30, v28  }
0x144: {  	v28 =	vld [tilespmem:s17+$0xFFFFFF80];
	v23 =	vadd.f32 v25, v23;
	v25 =	vmul.f32 v30, v30  }
0x145: {  	v21 =	vadd.f32 v30, v21;
	v30 =	vld [tilespmem:s21+$0x400];
	v22 =	vadd.f32 v24, v22;
	v24 =	vmul.f32 v61, v27  }
0x146: {  	v27 =	vld [tilespmem:s17+$0xFFFFFF90];
	v23 =	vadd.f32 v25, v23;
	v25 =	vmul.f32 v61, v61  }
0x147: {  	v62 =	vld [tilespmem:s21+$0x410];
	v21 =	vadd.f32 v61, v21;
	v22 =	vadd.f32 v24, v22;
	v24 =	vmul.f32 v29, v31  }
0x148: {  	v31 =	vld [tilespmem:s17+$0xFFFFFFA0];
	v23 =	vadd.f32 v25, v23;
	v25 =	vmul.f32 v29, v29  }
0x149: {  	v21 =	vadd.f32 v29, v21;
	v29 =	vld [tilespmem:s21+$0x420];
	v22 =	vadd.f32 v24, v22;
	v24 =	vmul.f32 v28, v26  }
0x14a: {  	v26 =	vld [tilespmem:s17+$0xFFFFFFB0];
	v23 =	vadd.f32 v25, v23;
	v25 =	vmul.f32 v28, v28  }
0x14b: {  	v33 =	vld [tilespmem:s21+$0x430];
	v28 =	vadd.f32 v28, v21;
	v30 =	vmul.f32 v27, v30;
	v24 =	vadd.f32 v24, v22  }
0x14c: {  	v22 =	vld [tilespmem:s17+$0xFFFFFFC0];
	v23 =	vadd.f32 v25, v23;
	v25 =	vmul.f32 v27, v27  }
0x14d: {  	v21 =	vld [tilespmem:s17+$0xFFFFFFD0];
	v28 =	vadd.f32 v27, v28;
	v24 =	vadd.f32 v30, v24;
	v30 =	vmul.f32 v31, v62  }
0x14e: {  	v27 =	vld [tilespmem:s21+$0x440];
	v63 =	vmul.f32 v31, v31;
	v25 =	vadd.f32 v25, v23  }
0x14f: {  	v23 =	vld [tilespmem:s17+$0xFFFFFFE0];
	v28 =	vadd.f32 v31, v28;
	v29 =	vmul.f32 v26, v29;
	v24 =	vadd.f32 v30, v24  }
0x150: {  	v34 =	vmul.f32 v26, v26;
	v30 =	vadd.f32 v63, v25;
	v25 =	vld [tilespmem:s21+$0x450]  }
0x151: {  	v28 =	vadd.f32 v26, v28;
	v26 =	vld [tilespmem:s21+$0x460];
	v32 =	vmul.f32 v22, v33;
	v31 =	vadd.f32 v29, v24  }
0x152: {  	s19 =	simm.s32 $0x0;
	s20 =	simm.s32 $0x200;
	v24 =	vld [tilespmem:s17+$0xFFFFFFF0];
	v29 =	vadd.f32 v34, v30;
	v30 =	vmul.f32 v22, v22  }
.LBB2_10:
0x153: {  	s22 =	sand.u32 $0x7800, s20;
	v31 =	vadd.f32 v32, v31;
	v27 =	vmul.f32 v21, v27;
	v32 =	vld [tilespmem:s17+$0x0];
	s18 =	sadd.s32 $0x100, s18;
	s17 =	sadd.s32 $0x208, s17  }
0x154: {  	s19 =	sadd.s32 $0x2, s19;
	s23 =	sand.u32 $0x300, s18;
	s22 =	sadd.s32 $0x9080, s22;
	v22 =	vadd.f32 v22, v28;
	v28 =	vadd.f32 v30, v29;
	v29 =	vmul.f32 v21, v21;
	v30 =	vld [tilespmem:s21+$0x470]  }
0x155: {  	p0 =	slt.u32 s19, $0x7E;
	s21 =	sor.u32 s23, s22;
	v33 =	vld [tilespmem:s17+$0xFFFFFE0C];
	v27 =	vadd.f32 v27, v31;
	v25 =	vmul.f32 v23, v25  }
0x156: {  	v31 =	vld [tilespmem:s21+$0x0];
	v21 =	vadd.f32 v21, v22;
	v22 =	vadd.f32 v29, v28;
	v28 =	vmul.f32 v23, v23  }
0x157: {  	v29 =	vld [tilespmem:s17+$0xFFFFFE1C];
	v25 =	vadd.f32 v25, v27;
	v26 =	vmul.f32 v24, v26  }
0x158: {  	v27 =	vld [tilespmem:s21+$0x10];
	v21 =	vadd.f32 v23, v21;
	v22 =	vadd.f32 v28, v22;
	v23 =	vmul.f32 v24, v24  }
0x159: {  	v28 =	vld [tilespmem:s17+$0xFFFFFE2C];
	v25 =	vadd.f32 v26, v25;
	v26 =	vmul.f32 v32, v30  }
0x15a: {  	v30 =	vld [tilespmem:s21+$0x20];
	v21 =	vadd.f32 v24, v21;
	v22 =	vadd.f32 v23, v22;
	v23 =	vmul.f32 v32, v32  }
0x15b: {  	v24 =	vmul.f32 v33, v31;
	v31 =	vld [tilespmem:s17+$0xFFFFFE3C];
	v25 =	vadd.f32 v26, v25  }
0x15c: {  	v26 =	vmul.f32 v33, v33;
	v34 =	vld [tilespmem:s21+$0x30];
	v21 =	vadd.f32 v32, v21;
	v22 =	vadd.f32 v23, v22  }
0x15d: {  	v23 =	vadd.f32 v24, v25;
	v24 =	vmul.f32 v29, v27;
	v25 =	vld [tilespmem:s17+$0xFFFFFE4C]  }
0x15e: {  	v21 =	vadd.f32 v33, v21;
	v22 =	vadd.f32 v26, v22;
	v26 =	vmul.f32 v29, v29;
	v27 =	vld [tilespmem:s21+$0x40]  }
0x15f: {  	v23 =	vadd.f32 v24, v23;
	v24 =	vmul.f32 v28, v30;
	v30 =	vld [tilespmem:s17+$0xFFFFFE5C]  }
0x160: {  	v21 =	vadd.f32 v29, v21;
	v22 =	vadd.f32 v26, v22;
	v26 =	vmul.f32 v28, v28;
	v29 =	vld [tilespmem:s21+$0x50]  }
0x161: {  	v23 =	vadd.f32 v24, v23;
	v24 =	vmul.f32 v31, v34;
	v32 =	vld [tilespmem:s17+$0xFFFFFE6C]  }
0x162: {  	v21 =	vadd.f32 v28, v21;
	v22 =	vadd.f32 v26, v22;
	v26 =	vmul.f32 v31, v31;
	v28 =	vld [tilespmem:s21+$0x60]  }
0x163: {  	v23 =	vadd.f32 v24, v23;
	v24 =	vmul.f32 v25, v27;
	v27 =	vld [tilespmem:s17+$0xFFFFFE7C]  }
0x164: {  	v21 =	vadd.f32 v31, v21;
	v22 =	vadd.f32 v26, v22;
	v26 =	vmul.f32 v25, v25;
	v31 =	vld [tilespmem:s21+$0x70]  }
0x165: {  	v23 =	vadd.f32 v24, v23;
	v24 =	vmul.f32 v30, v29;
	v29 =	vld [tilespmem:s17+$0xFFFFFE8C]  }
0x166: {  	v21 =	vadd.f32 v25, v21;
	v22 =	vadd.f32 v26, v22;
	v25 =	vmul.f32 v30, v30;
	v26 =	vld [tilespmem:s21+$0x400]  }
0x167: {  	v23 =	vadd.f32 v24, v23;
	v24 =	vmul.f32 v32, v28;
	v28 =	vld [tilespmem:s17+$0xFFFFFE9C]  }
0x168: {  	v21 =	vadd.f32 v30, v21;
	v22 =	vadd.f32 v25, v22;
	v25 =	vmul.f32 v32, v32;
	v30 =	vld [tilespmem:s21+$0x410]  }
0x169: {  	v23 =	vadd.f32 v24, v23;
	v24 =	vmul.f32 v27, v31;
	v31 =	vld [tilespmem:s17+$0xFFFFFEAC]  }
0x16a: {  	v21 =	vadd.f32 v32, v21;
	v22 =	vadd.f32 v25, v22;
	v25 =	vmul.f32 v27, v27;
	v32 =	vld [tilespmem:s21+$0x420]  }
0x16b: {  	v23 =	vadd.f32 v24, v23;
	v24 =	vmul.f32 v29, v26;
	v26 =	vld [tilespmem:s17+$0xFFFFFEBC]  }
0x16c: {  	v21 =	vadd.f32 v27, v21;
	v22 =	vadd.f32 v25, v22;
	v25 =	vmul.f32 v29, v29;
	v27 =	vld [tilespmem:s21+$0x430]  }
0x16d: {  	v23 =	vadd.f32 v24, v23;
	v24 =	vmul.f32 v28, v30;
	v30 =	vld [tilespmem:s17+$0xFFFFFECC]  }
0x16e: {  	v21 =	vadd.f32 v29, v21;
	v22 =	vadd.f32 v25, v22;
	v25 =	vmul.f32 v28, v28;
	v29 =	vld [tilespmem:s21+$0x440]  }
0x16f: {  	v23 =	vadd.f32 v24, v23;
	v24 =	vmul.f32 v31, v32;
	v32 =	vld [tilespmem:s17+$0xFFFFFEDC]  }
0x170: {  	v21 =	vadd.f32 v28, v21;
	v22 =	vadd.f32 v25, v22;
	v25 =	vmul.f32 v31, v31;
	v28 =	vld [tilespmem:s21+$0x450]  }
0x171: {  	v23 =	vadd.f32 v24, v23;
	v24 =	vmul.f32 v26, v27;
	v27 =	vld [tilespmem:s17+$0xFFFFFEEC]  }
0x172: {  	v21 =	vadd.f32 v31, v21;
	v22 =	vadd.f32 v25, v22;
	v25 =	vmul.f32 v26, v26;
	v31 =	vld [tilespmem:s21+$0x460]  }
0x173: {  	s23 =	sadd.s32 $0x80, s18;
	v23 =	vadd.f32 v24, v23;
	v24 =	vmul.f32 v30, v29;
	v29 =	vld [tilespmem:s17+$0xFFFFFEFC]  }
0x174: {  	v21 =	vadd.f32 v26, v21;
	v22 =	vadd.f32 v25, v22;
	v25 =	vmul.f32 v30, v30;
	v26 =	vld [tilespmem:s21+$0x470];
	s21 =	sand.u32 $0x380, s23  }
0x175: {  	v23 =	vadd.f32 v24, v23;
	v24 =	vmul.f32 v32, v28;
	s21 =	sadd.s32 s21, s22;
	v28 =	vld [tilespmem:s17+$0xFFFFFF10]  }
0x176: {  	v21 =	vadd.f32 v30, v21;
	v22 =	vadd.f32 v25, v22;
	v25 =	vmul.f32 v32, v32;
	v30 =	vld [tilespmem:s21+$0x0]  }
0x177: {  	v23 =	vadd.f32 v24, v23;
	v24 =	vmul.f32 v27, v31;
	v31 =	vld [tilespmem:s17+$0xFFFFFF20]  }
0x178: {  	v21 =	vadd.f32 v32, v21;
	v22 =	vadd.f32 v25, v22;
	v25 =	vmul.f32 v27, v27;
	v32 =	vld [tilespmem:s21+$0x10]  }
0x179: {  	v23 =	vadd.f32 v24, v23;
	v24 =	vmul.f32 v29, v26;
	v26 =	vld [tilespmem:s17+$0xFFFFFF30]  }
0x17a: {  	v21 =	vadd.f32 v27, v21;
	v22 =	vadd.f32 v25, v22;
	v25 =	vmul.f32 v29, v29;
	v27 =	vld [tilespmem:s21+$0x20]  }
0x17b: {  	v23 =	vadd.f32 v24, v23;
	v24 =	vmul.f32 v28, v30;
	v30 =	vld [tilespmem:s17+$0xFFFFFF40]  }
0x17c: {  	v21 =	vadd.f32 v29, v21;
	v22 =	vadd.f32 v25, v22;
	v25 =	vmul.f32 v28, v28;
	v29 =	vld [tilespmem:s21+$0x30]  }
0x17d: {  	v23 =	vadd.f32 v24, v23;
	v24 =	vmul.f32 v31, v32;
	v32 =	vld [tilespmem:s17+$0xFFFFFF50]  }
0x17e: {  	v21 =	vadd.f32 v28, v21;
	v22 =	vadd.f32 v25, v22;
	v25 =	vmul.f32 v31, v31;
	v28 =	vld [tilespmem:s21+$0x40]  }
0x17f: {  	v23 =	vadd.f32 v24, v23;
	v24 =	vmul.f32 v26, v27;
	v27 =	vld [tilespmem:s17+$0xFFFFFF60]  }
0x180: {  	v21 =	vadd.f32 v31, v21;
	v22 =	vadd.f32 v25, v22;
	v25 =	vmul.f32 v26, v26;
	v31 =	vld [tilespmem:s21+$0x50]  }
0x181: {  	v23 =	vadd.f32 v24, v23;
	v24 =	vmul.f32 v30, v29;
	v29 =	vld [tilespmem:s17+$0xFFFFFF70]  }
0x182: {  	v21 =	vadd.f32 v26, v21;
	v22 =	vadd.f32 v25, v22;
	v25 =	vmul.f32 v30, v30;
	v26 =	vld [tilespmem:s21+$0x60]  }
0x183: {  	v23 =	vadd.f32 v24, v23;
	v24 =	vmul.f32 v32, v28;
	v28 =	vld [tilespmem:s17+$0xFFFFFF80]  }
0x184: {  	v21 =	vadd.f32 v30, v21;
	v22 =	vadd.f32 v25, v22;
	v25 =	vmul.f32 v32, v32;
	v30 =	vld [tilespmem:s21+$0x70]  }
0x185: {  	v23 =	vadd.f32 v24, v23;
	v24 =	vmul.f32 v27, v31;
	v31 =	vld [tilespmem:s17+$0xFFFFFF90]  }
0x186: {  	v21 =	vadd.f32 v32, v21;
	v22 =	vadd.f32 v25, v22;
	v25 =	vmul.f32 v27, v27;
	v32 =	vld [tilespmem:s21+$0x400]  }
0x187: {  	v23 =	vadd.f32 v24, v23;
	v24 =	vmul.f32 v29, v26;
	v26 =	vld [tilespmem:s17+$0xFFFFFFA0]  }
0x188: {  	v21 =	vadd.f32 v27, v21;
	v22 =	vadd.f32 v25, v22;
	v25 =	vmul.f32 v29, v29;
	v27 =	vld [tilespmem:s21+$0x410]  }
0x189: {  	v23 =	vadd.f32 v24, v23;
	v24 =	vmul.f32 v28, v30;
	v30 =	vld [tilespmem:s17+$0xFFFFFFB0]  }
0x18a: {  	v21 =	vadd.f32 v29, v21;
	v25 =	vadd.f32 v25, v22;
	v29 =	vmul.f32 v28, v28;
	v33 =	vld [tilespmem:s21+$0x420]  }
0x18b: {  	v23 =	vadd.f32 v24, v23;
	v24 =	vmul.f32 v31, v32;
	v22 =	vld [tilespmem:s17+$0xFFFFFFC0]  }
0x18c: {  	v28 =	vadd.f32 v28, v21;
	v25 =	vadd.f32 v29, v25;
	v29 =	vmul.f32 v31, v31;
	v32 =	vld [tilespmem:s21+$0x430]  }
0x18d: {  	v23 =	vadd.f32 v24, v23;
	v24 =	vmul.f32 v26, v27;
	v21 =	vld [tilespmem:s17+$0xFFFFFFD0]  }
.Ltmp5:
0x18e: {  	v28 =	vadd.f32 v31, v28;
	v25 =	vadd.f32 v29, v25;
	v29 =	vmul.f32 v26, v26;
	v27 =	vld [tilespmem:s21+$0x440];
	(pc) =	sbr.rel @p0 .LBB2_10-.Ltmp5, $4  }
0x18f: {  	v24 =	vadd.f32 v24, v23;
	v31 =	vmul.f32 v30, v33;
	v23 =	vld [tilespmem:s17+$0xFFFFFFE0]  }
0x190: {  	v33 =	vmul.f32 v30, v30;
	v26 =	vadd.f32 v26, v28;
	v29 =	vadd.f32 v29, v25;
	v25 =	vld [tilespmem:s21+$0x450]  }
0x191: {  	v31 =	vadd.f32 v31, v24;
	v32 =	vmul.f32 v22, v32;
	v24 =	vld [tilespmem:s17+$0xFFFFFFF0]  }
0x192: {  	s20 =	sadd.s32 $0x200, s20;
	v28 =	vadd.f32 v30, v26;
	v29 =	vadd.f32 v33, v29;
	v30 =	vmul.f32 v22, v22;
	v26 =	vld [tilespmem:s21+$0x460]  }
0x193: {  	v31 =	vadd.f32 v32, v31;
	v27 =	vmul.f32 v21, v27;
	v57 =	vld [tilespmem:s17+$0x0]  }
0x194: {  	v59 =	vmul.f32 v21, v21;
	v60 =	vld [tilespmem:s21+$0x470];
	v22 =	vadd.f32 v22, v28;
	v58 =	vadd.f32 v30, v29  }
0x195: {  	v27 =	vadd.f32 v27, v31;
	v25 =	vmul.f32 v23, v25  }
0x196: {  	v61 =	vmul.f32 v23, v23;
	v21 =	vadd.f32 v21, v22;
	v22 =	vadd.f32 v59, v58  }
0x197: {  	v25 =	vadd.f32 v25, v27;
	v26 =	vmul.f32 v24, v26  }
0x198: {  	v21 =	vadd.f32 v23, v21;
	v22 =	vadd.f32 v61, v22  }
0x199: {  	v23 =	vmul.f32 v24, v24;
	v62 =	vmul.f32 v57, v60;
	v25 =	vadd.f32 v26, v25  }
0x19a: {  	v21 =	vadd.f32 v24, v21  }
0x19b: {  	v22 =	vadd.f32 v23, v22;
	v23 =	vmul.f32 v57, v57;
	v63 =	vadd.f32 v62, v25  }
0x19c: {  	v21 =	vadd.f32 v57, v21  }
0x19d: {  	s16 =	sadd.s32 $0x1, s16;
	v22 =	vadd.f32 v23, v22;
	[tilespmem:$0x11800] =	vst v63  }
0x19e: {  	p0 =	sne.s32 s16, s7;
	[tilespmem:$0x11810] =	vst v21  }
.Ltmp6:
0x19f: {  	[tilespmem:$0x11820] =	vst v22;
	(pc) =	sbr.rel @p0 .LBB2_1-.Ltmp6, $4  }
0x1a0: {  	[hbm4b:s6+s3] =	stream.linear.scatter [tilespmem:s15], [sflag:$0x2], $0x80, $0x38;
	[tilespmem:$0x11880] =	vst v63  }
0x1a1: {  	_ =	swait.ge [sflag:s12], $0x80  }
0x1a2: {  	[sflag:s12] =	ssyncset.done $0x0  }
0x1a3: {  	[sflag:s12] =	ssyncadd.s32 $0xFFFFFF80  }
0x1a4: {  	_ =	sfence.sel $0x180000  }
0x1a5: {  	[bflag:$0x0] =	sbarrier.arrive $0xFFFF  }
0x1a6: {  	p0 =	sne.s32 s1, $0x0;
	_ =	strace $0x90000047  }
0x1a7: {  	s0 =	sadd.s32 @!p0 $0x100000, s0;
	[bflag:$0x2] =	sbarrier.arrive $0xFFFF  }
0x1a8: {  	[sflag:s0] =	ssyncadd.tile.s32 @!p0 $0x1;
	_ =	shalt  }
.Lfunc_end2:
_tile_overlayer_lowered:
.L_overlay_start_2:
0x1a9: {  	(tag) =	ssettag $0x2  }
0x1aa: {  	s0 =	rddreg [dreg:$0x0];
	s2 =	stileid.u32  }
0x1ab: {  	s1 =	rddreg [dreg:$0x1];
	p0 =	sne.s32 s2, $0x0  }
0x1ac: {  	s3 =	rddreg [dreg:$0x2];
	[bflag:$0x3] =	sbarrier.arrive $0xFFFF;
	s2 =	simm.s32 @!p0 $0x1C02  }
0x1ad: {  	[timem:s3], [sflag:s2] =	dma.local @!p0 [hbm:s0], s1  }
0x1ae: {  	s0 =	simm.s32 @!p0 $0x2  }
0x1af: {  	_ =	swait.ge @!p0 [sflag:s0], s1  }
0x1b0: {  	s1 =	ssub.s32 @!p0 $0x0, s1;
	[sflag:s0] =	ssyncset.done @!p0 $0x0  }
0x1b1: {  	[sflag:s0] =	ssyncadd.s32 @!p0 s1  }
0x1b2: {  	[bflag:$0x3] =	sbarrier.arrive $0xFFFF  }
0x1b3: {  	_ =	shalt  }

</sc_bundles>
